<compile_context>
chip_gen: v7x
topology: tpu7x:2x2x1
jax: 0.10.2.dev20260603
libtpu: 0.0.44.dev20260713+nightly
codegen_flags: <defaults>
</compile_context>

<pallas_src>
import functools

import jax
import jax.numpy as jnp
from jax import lax
from jax.experimental import pallas as pl
from jax.experimental.pallas import tpu as pltpu
from jax.experimental.pallas import tpu_sc as plsc

NC = 2
NS = 16
NW = NC * NS
CHUNK = 128


def _sc_scatter(feat, src3, dst3, zeros, erows=None):
  n_tab, d = zeros.shape
  _, nch, _ = src3.shape
  rpt = n_tab // NS

  scratch = [
      pltpu.VMEM((nch, CHUNK), jnp.int32),
      pltpu.VMEM((nch, CHUNK), jnp.int32),
      pltpu.VMEM((CHUNK, d), jnp.float32),
      pltpu.VMEM((CHUNK, d), jnp.float32),
      pltpu.VMEM_SHARED((n_tab, d), jnp.float32),
      pltpu.SemaphoreType.DMA,
  ]
  mesh = plsc.VectorSubcoreMesh(core_axis_name="c", subcore_axis_name="s")
  out_type = jax.ShapeDtypeStruct((NC, n_tab, d), jnp.float32)

  def body(*refs):
    if erows is None:
      (feat_hbm, src_hbm, dst_hbm, zeros_hbm, out_hbm,
       src_v, dst_v, rows_v, erow_v, table, sem) = refs
      erows_hbm = None
    else:
      (feat_hbm, src_hbm, dst_hbm, erows_hbm, zeros_hbm, out_hbm,
       src_v, dst_v, rows_v, erow_v, table, sem) = refs
    cid = lax.axis_index("c")
    sid = lax.axis_index("s")
    gw = cid * NS + sid
    pltpu.sync_copy(zeros_hbm.at[pl.ds(sid * rpt, rpt)],
                    table.at[pl.ds(sid * rpt, rpt)])
    pltpu.sync_copy(src_hbm.at[gw], src_v)
    pltpu.sync_copy(dst_hbm.at[gw], dst_v)
    plsc.subcore_barrier()

    def step(j, carry):
      pltpu.async_copy(feat_hbm.at[src_v.at[j]], rows_v, sem).wait()
      pltpu.sync_copy(rows_v, table.at[dst_v.at[j]], add=True)
      if erows is not None:
        pltpu.sync_copy(erows_hbm.at[gw, pl.ds(j * CHUNK, CHUNK)], erow_v)
        pltpu.sync_copy(erow_v, table.at[dst_v.at[j]], add=True)
      return carry

    lax.fori_loop(0, nch, step, 0)
    plsc.subcore_barrier()
    pltpu.sync_copy(table.at[pl.ds(sid * rpt, rpt)],
                    out_hbm.at[cid, pl.ds(sid * rpt, rpt)])

  args = [feat, src3, dst3]
  if erows is not None:
    args.append(erows)
  args.append(zeros)
  fn = pl.kernel(
      body, out_type=out_type, mesh=mesh, scratch_types=scratch,
      compiler_params=pltpu.CompilerParams(use_tc_tiling_on_sc=False))
  return fn(*args)


def _dense0(S, corr, node_emb, ew, eb, w1, b1, g, bt, w2, b2, n, d):

  def body(s_ref, corr_ref, ne_ref, ew_ref, eb_ref, w1_ref, b1_ref, g_ref,
           bt_ref, w2_ref, b2_ref, h1_ref, sc_ref):
    Sc = s_ref[0, :n, :] + s_ref[1, :n, :] + corr_ref[...]
    sc_ref[...] = Sc
    emb0 = ne_ref[0:1, :]
    demb = ne_ref[1:2, :] - emb0
    deg = Sc[:, 0:1]
    cnt1 = Sc[:, 1:2]
    agg_h = deg * emb0 + cnt1 * demb
    ew = ew_ref[...].astype(jnp.bfloat16).astype(jnp.float32)
    agg_ee = (Sc[:, 2:3] * ew[0:1, :] + Sc[:, 3:4] * ew[1:2, :]
              + Sc[:, 4:5] * ew[2:3, :] + deg * eb_ref[...])
    aggr = jnp.concatenate([agg_h, agg_ee], axis=1)
    z = jnp.dot(aggr, w1_ref[...], preferred_element_type=jnp.float32) + b1_ref[...]
    m = jnp.mean(z, axis=0, keepdims=True)
    v = jnp.mean((z - m) * (z - m), axis=0, keepdims=True)
    z = (z - m) / jnp.sqrt(v + 1e-5) * g_ref[...] + bt_ref[...]
    z = jnp.maximum(z, 0.0)
    h1 = jnp.dot(z, w2_ref[...], preferred_element_type=jnp.float32) + b2_ref[...]
    h1_ref[...] = jnp.maximum(h1, 0.0)

  return pl.pallas_call(
      body,
      out_shape=[
          jax.ShapeDtypeStruct((n, d), jnp.float32),
          jax.ShapeDtypeStruct((n, 16), jnp.float32),
      ],
  )(S, corr, node_emb, ew, eb, w1, b1, g, bt, w2, b2)


def _dense1(G, h1, Sc, ew, eb, w1, b1, g, bt, w2, b2, n, d):
  n_tab = G.shape[1]
  bs = 2000
  nb = n // bs

  def body_a(g3_ref, h1_ref, sc_ref, ew_ref, eb_ref, w1_ref, b1_ref, z_ref):
    aggh = g3_ref[0] + g3_ref[1] + h1_ref[...]
    Sc = sc_ref[...]
    ew = ew_ref[...].astype(jnp.bfloat16).astype(jnp.float32)
    agg_ee = (Sc[:, 2:3] * ew[0:1, :] + Sc[:, 3:4] * ew[1:2, :]
              + Sc[:, 4:5] * ew[2:3, :] + Sc[:, 0:1] * eb_ref[...])
    aggr = jnp.concatenate([aggh, agg_ee], axis=1)
    z_ref[...] = jnp.dot(aggr, w1_ref[...], preferred_element_type=jnp.float32) + b1_ref[...]

  z = pl.pallas_call(
      body_a,
      grid=(nb,),
      in_specs=[
          pl.BlockSpec((NC, bs, d), lambda i: (0, i, 0)),
          pl.BlockSpec((bs, d), lambda i: (i, 0)),
          pl.BlockSpec((bs, 16), lambda i: (i, 0)),
          pl.BlockSpec((3, d), lambda i: (0, 0)),
          pl.BlockSpec((1, d), lambda i: (0, 0)),
          pl.BlockSpec((2 * d, 2 * d), lambda i: (0, 0)),
          pl.BlockSpec((1, 2 * d), lambda i: (0, 0)),
      ],
      out_specs=pl.BlockSpec((bs, 2 * d), lambda i: (i, 0)),
      out_shape=jax.ShapeDtypeStruct((n, 2 * d), jnp.float32),
  )(G, h1, Sc, ew, eb, w1, b1)

  def body_b(z_ref, gm_ref, bt_ref, w2_ref, b2_ref, out_ref):
    z = z_ref[...]
    m = jnp.mean(z, axis=0, keepdims=True)
    v = jnp.mean((z - m) * (z - m), axis=0, keepdims=True)
    z = (z - m) / jnp.sqrt(v + 1e-5) * gm_ref[...] + bt_ref[...]
    z = jnp.maximum(z, 0.0)
    out_ref[...] = (jnp.dot(z, w2_ref[...], preferred_element_type=jnp.float32)
                    + b2_ref[...])

  return pl.pallas_call(
      body_b,
      out_shape=jax.ShapeDtypeStruct((n, d), jnp.float32),
  )(z, g, bt, w2, b2)


def kernel(x, edge_index, edge_attr, node_emb, edge_W0, edge_b0, W1_0, b1_0,
           gamma0, beta0, W2_0, b2_0, edge_W1, edge_b1, W1_1, b1_1, gamma1,
           beta1, W2_1, b2_1):
  n = x.shape[0]
  e = edge_index.shape[1]
  d = node_emb.shape[1]
  xf = x.astype(jnp.float32)

  nch = -(-e // (NW * CHUNK))
  ep = NW * nch * CHUNK
  pad = ep - e
  src3 = jnp.concatenate(
      [edge_index[0], jnp.zeros((pad,), jnp.int32)]).reshape(NW, nch, CHUNK)
  dst3 = jnp.concatenate(
      [edge_index[1], jnp.full((pad,), n, jnp.int32)]).reshape(NW, nch, CHUNK)

  n_tab = -(-(n + 1) // (NS * 8)) * (NS * 8)

  t0 = jnp.zeros((n, 16), jnp.float32).at[:, 0].set(1.0).at[:, 1].set(xf)
  ea_r = edge_attr.astype(jnp.bfloat16).astype(jnp.float32)
  er3 = (jnp.zeros((ep, 16), jnp.float32).at[:e, 2:5].set(ea_r)
         .reshape(NW, nch * CHUNK, 16))
  zeros16 = jnp.zeros((n_tab, 16), jnp.float32)
  zerosd = jnp.zeros((n_tab, d), jnp.float32)
  corr = (jnp.zeros((n, 16), jnp.float32).at[:, 0].set(1.0)
          .at[:, 1].set(xf).at[:, 2].set(1.0))

  r1 = lambda a: a.reshape(1, -1)

  S = _sc_scatter(t0, src3, dst3, zeros16, erows=er3)
  h1, Sc = _dense0(S, corr, node_emb, edge_W0, r1(edge_b0), W1_0, r1(b1_0),
                   r1(gamma0), r1(beta0), W2_0, r1(b2_0), n, d)
  G = _sc_scatter(h1, src3, dst3, zerosd)
  out = _dense1(G, h1, Sc, edge_W1, r1(edge_b1), W1_1, r1(b1_1), r1(gamma1),
                r1(beta1), W2_1, r1(b2_1), n, d)
  return out

# --- scband reference (transcript-rebuilt; emitter-appended) ---
"""Pipeline reference for scband-gnn-18837726560924 (READ-ONLY COPY).

The authoritative reference and input builder live on the scoring server;
editing this copy changes nothing except your own understanding.
"""

import jax, jax.numpy as jnp
import numpy as np

N = 10000
E = 320000
EMB = 128

def setup_inputs(seed: int = 0):
    key = jax.random.key(seed)
    def k(i):
        return jax.random.fold_in(key, i)
    inp = {}
    inp["x"] = jax.random.randint(k(0), (N,), 0, 2, dtype=jnp.int32)
    inp["edge_index"] = jax.random.randint(k(1), (2, E), 0, N, dtype=jnp.int32)
    inp["edge_attr"] = jax.random.normal(k(2), (E, 3), dtype=jnp.float32)
    inp["node_emb"] = jax.random.normal(k(3), (2, EMB), dtype=jnp.float32) * 0.05
    i = 4
    for l in range(2):
        inp["edge_W%d" % l] = jax.random.normal(k(i), (3, EMB), dtype=jnp.float32) * 0.05; i += 1
        inp["edge_b%d" % l] = jnp.zeros((EMB,), dtype=jnp.float32)
        inp["W1_%d" % l] = jax.random.normal(k(i), (2 * EMB, 2 * EMB), dtype=jnp.float32) * 0.05; i += 1
        inp["b1_%d" % l] = jnp.zeros((2 * EMB,), dtype=jnp.float32)
        inp["gamma%d" % l] = jnp.ones((2 * EMB,), dtype=jnp.float32)
        inp["beta%d" % l] = jnp.zeros((2 * EMB,), dtype=jnp.float32)
        inp["W2_%d" % l] = jax.random.normal(k(i), (2 * EMB, EMB), dtype=jnp.float32) * 0.05; i += 1
        inp["b2_%d" % l] = jnp.zeros((EMB,), dtype=jnp.float32)
    return inp

def _gin(h, src, dst, ea, eW, eb, W1, b1, g, bt, W2, b2, n):
    # edge encoder: Linear(3, emb_dim)
    ee = ea @ eW + eb
    # message: concat([x_j, edge_emb]); x_j gathered from source nodes
    msg = jnp.concatenate([h[src], ee], axis=1)
    # aggr='add': scatter-add to destination nodes
    aggr = jax.ops.segment_sum(msg, dst, num_segments=n)
    # update MLP: Linear(2d,2d) -> BatchNorm1d(2d, train-mode batch stats) -> ReLU -> Linear(2d,d)
    z = aggr @ W1 + b1
    m = jnp.mean(z, axis=0)
    v = jnp.var(z, axis=0)
    z = (z - m) / jnp.sqrt(v + 1e-5) * g + bt
    z = jax.nn.relu(z)
    return z @ W2 + b2

def reference(x, edge_index, edge_attr, node_emb, edge_W0, edge_b0, W1_0, b1_0, gamma0, beta0, W2_0, b2_0, edge_W1, edge_b1, W1_1, b1_1, gamma1, beta1, W2_1, b2_1):
    n = x.shape[0]
    ar = jnp.arange(n, dtype=edge_index.dtype)
    # add_self_loops
    src = jnp.concatenate([edge_index[0], ar])
    dst = jnp.concatenate([edge_index[1], ar])
    sl = jnp.zeros((n, 3), dtype=edge_attr.dtype).at[:, 0].set(1.0)
    ea = jnp.concatenate([edge_attr, sl], axis=0)
    # layer 0: input_layer=True -> embed binary node labels
    h = node_emb[x]
    h = _gin(h, src, dst, ea, edge_W0, edge_b0, W1_0, b1_0, gamma0, beta0, W2_0, b2_0, n)
    # not last layer: relu (dropout p=0.0 is identity)
    h = jax.nn.relu(h)
    # layer 1 (last): dropout p=0.0 is identity
    h = _gin(h, src, dst, ea, edge_W1, edge_b1, W1_1, b1_1, gamma1, beta1, W2_1, b2_1, n)
    return h

if __name__ == "__main__":
    import jax
    _d = setup_inputs()
    print(jax.jit(kernel)(*tuple(_d.values())))

</pallas_src>

<mosaic_0001>
#map = affine_map<(d0, d1) -> (0, 0)>
#map1 = affine_map<(d0, d1) -> (0, 0, 0)>
module attributes {stable_mosaic.version = 14 : i64} {
  func.func @body(%arg0: i32, %arg1: i32, %arg2: memref<10000x16xf32, #tpu.memory_space<hbm>>, %arg3: memref<32x79x128xi32, #tpu.memory_space<hbm>>, %arg4: memref<32x79x128xi32, #tpu.memory_space<hbm>>, %arg5: memref<32x10112x16xf32, #tpu.memory_space<hbm>>, %arg6: memref<10112x16xf32, #tpu.memory_space<hbm>>, %arg7: memref<2x10112x16xf32, #tpu.memory_space<hbm>>, %arg8: memref<79x128xi32, #tpu.memory_space<vmem>>, %arg9: memref<79x128xi32, #tpu.memory_space<vmem>>, %arg10: memref<128x16xf32, #tpu.memory_space<vmem>>, %arg11: memref<128x16xf32, #tpu.memory_space<vmem>>, %arg12: memref<10112x16xf32, #tpu.memory_space<vmem_shared>>, %arg13: memref<!tpu.dma_semaphore, #tpu.memory_space<semaphore_mem>>) attributes {dimension_semantics = [#tpu.dimension_semantics<core_parallel>, #tpu.dimension_semantics<subcore_parallel>], iteration_bounds = array<i64: 2, 16>, scalar_prefetch = 0 : i64, scratch_operands = 6 : i64, tpu.core_type = #tpu.core_type<sc_vector_subcore>, window_params = [{transform_indices = #map}, {transform_indices = #map1}, {transform_indices = #map1}, {transform_indices = #map1}, {transform_indices = #map}, {transform_indices = #map1}]} {
    %mul3A = arith.constant 16 : i32
    %mul3A_0 = arith.muli %arg0, %mul3A : i32
    %add3A = arith.addi %mul3A_0, %arg1 : i32
    %mul3A_1 = arith.constant 632 : i32
    %mul3A_2 = arith.muli %arg1, %mul3A_1 : i32
    %mul3A_3 = arith.constant 632 : i32
    %mul3A_4 = arith.muli %arg1, %mul3A_3 : i32
    "tpu.region"() ({
      %run_scoped3A = tpu.sem_alloc : memref<!tpu.dma_semaphore, #tpu.memory_space<semaphore_mem>>
      %dma_start3A = arith.constant 0 : i32
      %dma_start3A_15 = tpu.memref_slice %arg12[%mul3A_4, %dma_start3A] : memref<10112x16xf32, #tpu.memory_space<vmem_shared>> -> memref<632x16xf32, #tpu.memory_space<vmem_shared>>
      %dma_start3A_16 = arith.constant 0 : i32
      %dma_start3A_17 = tpu.memref_slice %arg6[%mul3A_2, %dma_start3A_16] : memref<10112x16xf32, #tpu.memory_space<hbm>> -> memref<632x16xf32, #tpu.memory_space<hbm>>
      tpu.enqueue_dma source(%dma_start3A_17 : memref<632x16xf32, #tpu.memory_space<hbm>>) target(%dma_start3A_15 : memref<632x16xf32, #tpu.memory_space<vmem_shared>>) target_semaphore(%run_scoped3A : memref<!tpu.dma_semaphore, #tpu.memory_space<semaphore_mem>>)
      %dma_wait3A = arith.constant 0 : i32
      %dma_wait3A_18 = tpu.memref_slice %arg12[%mul3A_4, %dma_wait3A] : memref<10112x16xf32, #tpu.memory_space<vmem_shared>> -> memref<632x16xf32, #tpu.memory_space<vmem_shared>>
      %dma_wait3A_19 = arith.constant 0 : i32
      %dma_wait3A_20 = tpu.memref_slice %arg6[%mul3A_2, %dma_wait3A_19] : memref<10112x16xf32, #tpu.memory_space<hbm>> -> memref<632x16xf32, #tpu.memory_space<hbm>>
      tpu.wait_dma2 semaphore(%run_scoped3A : memref<!tpu.dma_semaphore, #tpu.memory_space<semaphore_mem>>) src(%dma_wait3A_20 : memref<632x16xf32, #tpu.memory_space<hbm>>) dst(%dma_wait3A_18 : memref<632x16xf32, #tpu.memory_space<vmem_shared>>)
      tpu.yield
    }) : () -> ()
    "tpu.region"() ({
      %run_scoped3A = tpu.sem_alloc : memref<!tpu.dma_semaphore, #tpu.memory_space<semaphore_mem>>
      %dma_start3A = arith.constant 0 : i32
      %dma_start3A_15 = arith.constant 0 : i32
      %dma_start3A_16 = tpu.memref_slice %arg3[%add3A, %dma_start3A, %dma_start3A_15] : memref<32x79x128xi32, #tpu.memory_space<hbm>> -> memref<1x79x128xi32, #tpu.memory_space<hbm>>
      %dma_start3A_17 = tpu.memref_squeeze %dma_start3A_16 : memref<1x79x128xi32, #tpu.memory_space<hbm>> -> memref<79x128xi32, #tpu.memory_space<hbm>>
      %dma_start3A_18 = arith.constant 0 : i32
      %dma_start3A_19 = arith.constant 0 : i32
      %dma_start3A_20 = tpu.memref_slice %arg3[%add3A, %dma_start3A_18, %dma_start3A_19] : memref<32x79x128xi32, #tpu.memory_space<hbm>> -> memref<1x79x128xi32, #tpu.memory_space<hbm>>
      %dma_start3A_21 = tpu.memref_squeeze %dma_start3A_20 : memref<1x79x128xi32, #tpu.memory_space<hbm>> -> memref<79x128xi32, #tpu.memory_space<hbm>>
      tpu.enqueue_dma source(%dma_start3A_21 : memref<79x128xi32, #tpu.memory_space<hbm>>) target(%arg8 : memref<79x128xi32, #tpu.memory_space<vmem>>) target_semaphore(%run_scoped3A : memref<!tpu.dma_semaphore, #tpu.memory_space<semaphore_mem>>)
      %dma_wait3A = arith.constant 0 : i32
      %dma_wait3A_22 = arith.constant 0 : i32
      %dma_wait3A_23 = tpu.memref_slice %arg3[%add3A, %dma_wait3A, %dma_wait3A_22] : memref<32x79x128xi32, #tpu.memory_space<hbm>> -> memref<1x79x128xi32, #tpu.memory_space<hbm>>
      %dma_wait3A_24 = tpu.memref_squeeze %dma_wait3A_23 : memref<1x79x128xi32, #tpu.memory_space<hbm>> -> memref<79x128xi32, #tpu.memory_space<hbm>>
      %dma_wait3A_25 = arith.constant 0 : i32
      %dma_wait3A_26 = arith.constant 0 : i32
      %dma_wait3A_27 = tpu.memref_slice %arg3[%add3A, %dma_wait3A_25, %dma_wait3A_26] : memref<32x79x128xi32, #tpu.memory_space<hbm>> -> memref<1x79x128xi32, #tpu.memory_space<hbm>>
      %dma_wait3A_28 = tpu.memref_squeeze %dma_wait3A_27 : memref<1x79x128xi32, #tpu.memory_space<hbm>> -> memref<79x128xi32, #tpu.memory_space<hbm>>
      tpu.wait_dma2 semaphore(%run_scoped3A : memref<!tpu.dma_semaphore, #tpu.memory_space<semaphore_mem>>) src(%dma_wait3A_28 : memref<79x128xi32, #tpu.memory_space<hbm>>) dst(%arg8 : memref<79x128xi32, #tpu.memory_space<vmem>>)
      tpu.yield
    }) : () -> ()
    "tpu.region"() ({
      %run_scoped3A = tpu.sem_alloc : memref<!tpu.dma_semaphore, #tpu.memory_space<semaphore_mem>>
      %dma_start3A = arith.constant 0 : i32
      %dma_start3A_15 = arith.constant 0 : i32
      %dma_start3A_16 = tpu.memref_slice %arg4[%add3A, %dma_start3A, %dma_start3A_15] : memref<32x79x128xi32, #tpu.memory_space<hbm>> -> memref<1x79x128xi32, #tpu.memory_space<hbm>>
      %dma_start3A_17 = tpu.memref_squeeze %dma_start3A_16 : memref<1x79x128xi32, #tpu.memory_space<hbm>> -> memref<79x128xi32, #tpu.memory_space<hbm>>
      %dma_start3A_18 = arith.constant 0 : i32
      %dma_start3A_19 = arith.constant 0 : i32
      %dma_start3A_20 = tpu.memref_slice %arg4[%add3A, %dma_start3A_18, %dma_start3A_19] : memref<32x79x128xi32, #tpu.memory_space<hbm>> -> memref<1x79x128xi32, #tpu.memory_space<hbm>>
      %dma_start3A_21 = tpu.memref_squeeze %dma_start3A_20 : memref<1x79x128xi32, #tpu.memory_space<hbm>> -> memref<79x128xi32, #tpu.memory_space<hbm>>
      tpu.enqueue_dma source(%dma_start3A_21 : memref<79x128xi32, #tpu.memory_space<hbm>>) target(%arg9 : memref<79x128xi32, #tpu.memory_space<vmem>>) target_semaphore(%run_scoped3A : memref<!tpu.dma_semaphore, #tpu.memory_space<semaphore_mem>>)
      %dma_wait3A = arith.constant 0 : i32
      %dma_wait3A_22 = arith.constant 0 : i32
      %dma_wait3A_23 = tpu.memref_slice %arg4[%add3A, %dma_wait3A, %dma_wait3A_22] : memref<32x79x128xi32, #tpu.memory_space<hbm>> -> memref<1x79x128xi32, #tpu.memory_space<hbm>>
      %dma_wait3A_24 = tpu.memref_squeeze %dma_wait3A_23 : memref<1x79x128xi32, #tpu.memory_space<hbm>> -> memref<79x128xi32, #tpu.memory_space<hbm>>
      %dma_wait3A_25 = arith.constant 0 : i32
      %dma_wait3A_26 = arith.constant 0 : i32
      %dma_wait3A_27 = tpu.memref_slice %arg4[%add3A, %dma_wait3A_25, %dma_wait3A_26] : memref<32x79x128xi32, #tpu.memory_space<hbm>> -> memref<1x79x128xi32, #tpu.memory_space<hbm>>
      %dma_wait3A_28 = tpu.memref_squeeze %dma_wait3A_27 : memref<1x79x128xi32, #tpu.memory_space<hbm>> -> memref<79x128xi32, #tpu.memory_space<hbm>>
      tpu.wait_dma2 semaphore(%run_scoped3A : memref<!tpu.dma_semaphore, #tpu.memory_space<semaphore_mem>>) src(%dma_wait3A_28 : memref<79x128xi32, #tpu.memory_space<hbm>>) dst(%arg9 : memref<79x128xi32, #tpu.memory_space<vmem>>)
      tpu.yield
    }) : () -> ()
    %barrier3A = arith.constant 0 : index
    tpu.barrier barrier_id(%barrier3A)
    %scan3A = arith.constant 0 : i32
    %scan3A_5 = arith.constant 0 : i32
    %scan3A_6 = arith.constant 79 : i32
    %scan3A_7 = arith.addi %scan3A_5, %scan3A_6 : i32
    %scan3A_8 = arith.constant 1 : i32
    scf.for %scan3A_15 = %scan3A_5 to %scan3A_7 step %scan3A_8  : i32 {
      %dma_start3A = arith.constant 0 : i32
      %dma_start3A_16 = tpu.memref_slice %arg8[%scan3A_15, %dma_start3A] : memref<79x128xi32, #tpu.memory_space<vmem>> -> memref<1x128xi32, #tpu.memory_space<vmem>>
      %dma_start3A_17 = tpu.memref_squeeze %dma_start3A_16 : memref<1x128xi32, #tpu.memory_space<vmem>> -> memref<128xi32, #tpu.memory_space<vmem>>
      %dma_start3A_18 = arith.constant 0 : i32
      %dma_start3A_19 = arith.constant 0 : i32
      %dma_start3A_20 = tpu.memref_slice %arg2[%dma_start3A_18, %dma_start3A_19] : memref<10000x16xf32, #tpu.memory_space<hbm>> -> memref<10000x16xf32, #tpu.memory_space<hbm>>
      tpu.enqueue_indirect_dma source(%dma_start3A_20 : memref<10000x16xf32, #tpu.memory_space<hbm>>) target(%arg10 : memref<128x16xf32, #tpu.memory_space<vmem>>) offsets(%dma_start3A_17 : memref<128xi32, #tpu.memory_space<vmem>>) semaphore(%arg13 : memref<!tpu.dma_semaphore, #tpu.memory_space<semaphore_mem>>)
      %dma_wait3A = arith.constant 0 : i32
      %dma_wait3A_21 = tpu.memref_slice %arg8[%scan3A_15, %dma_wait3A] : memref<79x128xi32, #tpu.memory_space<vmem>> -> memref<1x128xi32, #tpu.memory_space<vmem>>
      %dma_wait3A_22 = tpu.memref_squeeze %dma_wait3A_21 : memref<1x128xi32, #tpu.memory_space<vmem>> -> memref<128xi32, #tpu.memory_space<vmem>>
      %dma_wait3A_23 = arith.constant 0 : i32
      %dma_wait3A_24 = arith.constant 0 : i32
      %dma_wait3A_25 = tpu.memref_slice %arg2[%dma_wait3A_23, %dma_wait3A_24] : memref<10000x16xf32, #tpu.memory_space<hbm>> -> memref<10000x16xf32, #tpu.memory_space<hbm>>
      tpu.wait_indirect_dma semaphore(%arg13 : memref<!tpu.dma_semaphore, #tpu.memory_space<semaphore_mem>>) src(%dma_wait3A_25 : memref<10000x16xf32, #tpu.memory_space<hbm>>) dst(%arg10 : memref<128x16xf32, #tpu.memory_space<vmem>>)
      "tpu.region"() ({
        %run_scoped3A = tpu.sem_alloc : memref<!tpu.dma_semaphore, #tpu.memory_space<semaphore_mem>>
        %dma_start3A_28 = arith.constant 0 : i32
        %dma_start3A_29 = tpu.memref_slice %arg9[%scan3A_15, %dma_start3A_28] : memref<79x128xi32, #tpu.memory_space<vmem>> -> memref<1x128xi32, #tpu.memory_space<vmem>>
        %dma_start3A_30 = tpu.memref_squeeze %dma_start3A_29 : memref<1x128xi32, #tpu.memory_space<vmem>> -> memref<128xi32, #tpu.memory_space<vmem>>
        %dma_start3A_31 = arith.constant 0 : i32
        %dma_start3A_32 = arith.constant 0 : i32
        %dma_start3A_33 = tpu.memref_slice %arg12[%dma_start3A_31, %dma_start3A_32] : memref<10112x16xf32, #tpu.memory_space<vmem_shared>> -> memref<10112x16xf32, #tpu.memory_space<vmem_shared>>
        tpu.enqueue_indirect_dma source(%arg10 : memref<128x16xf32, #tpu.memory_space<vmem>>) target(%dma_start3A_33 : memref<10112x16xf32, #tpu.memory_space<vmem_shared>>) offsets(%dma_start3A_30 : memref<128xi32, #tpu.memory_space<vmem>>) semaphore(%run_scoped3A : memref<!tpu.dma_semaphore, #tpu.memory_space<semaphore_mem>>) {add = true}
        %dma_wait3A_34 = arith.constant 0 : i32
        %dma_wait3A_35 = tpu.memref_slice %arg9[%scan3A_15, %dma_wait3A_34] : memref<79x128xi32, #tpu.memory_space<vmem>> -> memref<1x128xi32, #tpu.memory_space<vmem>>
        %dma_wait3A_36 = tpu.memref_squeeze %dma_wait3A_35 : memref<1x128xi32, #tpu.memory_space<vmem>> -> memref<128xi32, #tpu.memory_space<vmem>>
        %dma_wait3A_37 = arith.constant 0 : i32
        %dma_wait3A_38 = arith.constant 0 : i32
        %dma_wait3A_39 = tpu.memref_slice %arg12[%dma_wait3A_37, %dma_wait3A_38] : memref<10112x16xf32, #tpu.memory_space<vmem_shared>> -> memref<10112x16xf32, #tpu.memory_space<vmem_shared>>
        tpu.wait_indirect_dma semaphore(%run_scoped3A : memref<!tpu.dma_semaphore, #tpu.memory_space<semaphore_mem>>) src(%arg10 : memref<128x16xf32, #tpu.memory_space<vmem>>) dst(%dma_wait3A_39 : memref<10112x16xf32, #tpu.memory_space<vmem_shared>>)
        tpu.yield
      }) : () -> ()
      %mul3A_26 = arith.constant 128 : i32
      %mul3A_27 = arith.muli %scan3A_15, %mul3A_26 : i32
      "tpu.region"() ({
        %run_scoped3A = tpu.sem_alloc : memref<!tpu.dma_semaphore, #tpu.memory_space<semaphore_mem>>
        %dma_start3A_28 = arith.constant 0 : i32
        %dma_start3A_29 = tpu.memref_slice %arg5[%add3A, %mul3A_27, %dma_start3A_28] : memref<32x10112x16xf32, #tpu.memory_space<hbm>> -> memref<1x128x16xf32, #tpu.memory_space<hbm>>
        %dma_start3A_30 = tpu.memref_squeeze %dma_start3A_29 : memref<1x128x16xf32, #tpu.memory_space<hbm>> -> memref<128x16xf32, #tpu.memory_space<hbm>>
        %dma_start3A_31 = arith.constant 0 : i32
        %dma_start3A_32 = tpu.memref_slice %arg5[%add3A, %mul3A_27, %dma_start3A_31] : memref<32x10112x16xf32, #tpu.memory_space<hbm>> -> memref<1x128x16xf32, #tpu.memory_space<hbm>>
        %dma_start3A_33 = tpu.memref_squeeze %dma_start3A_32 : memref<1x128x16xf32, #tpu.memory_space<hbm>> -> memref<128x16xf32, #tpu.memory_space<hbm>>
        tpu.enqueue_dma source(%dma_start3A_33 : memref<128x16xf32, #tpu.memory_space<hbm>>) target(%arg11 : memref<128x16xf32, #tpu.memory_space<vmem>>) target_semaphore(%run_scoped3A : memref<!tpu.dma_semaphore, #tpu.memory_space<semaphore_mem>>)
        %dma_wait3A_34 = arith.constant 0 : i32
        %dma_wait3A_35 = tpu.memref_slice %arg5[%add3A, %mul3A_27, %dma_wait3A_34] : memref<32x10112x16xf32, #tpu.memory_space<hbm>> -> memref<1x128x16xf32, #tpu.memory_space<hbm>>
        %dma_wait3A_36 = tpu.memref_squeeze %dma_wait3A_35 : memref<1x128x16xf32, #tpu.memory_space<hbm>> -> memref<128x16xf32, #tpu.memory_space<hbm>>
        %dma_wait3A_37 = arith.constant 0 : i32
        %dma_wait3A_38 = tpu.memref_slice %arg5[%add3A, %mul3A_27, %dma_wait3A_37] : memref<32x10112x16xf32, #tpu.memory_space<hbm>> -> memref<1x128x16xf32, #tpu.memory_space<hbm>>
        %dma_wait3A_39 = tpu.memref_squeeze %dma_wait3A_38 : memref<1x128x16xf32, #tpu.memory_space<hbm>> -> memref<128x16xf32, #tpu.memory_space<hbm>>
        tpu.wait_dma2 semaphore(%run_scoped3A : memref<!tpu.dma_semaphore, #tpu.memory_space<semaphore_mem>>) src(%dma_wait3A_39 : memref<128x16xf32, #tpu.memory_space<hbm>>) dst(%arg11 : memref<128x16xf32, #tpu.memory_space<vmem>>)
        tpu.yield
      }) : () -> ()
      "tpu.region"() ({
        %run_scoped3A = tpu.sem_alloc : memref<!tpu.dma_semaphore, #tpu.memory_space<semaphore_mem>>
        %dma_start3A_28 = arith.constant 0 : i32
        %dma_start3A_29 = tpu.memref_slice %arg9[%scan3A_15, %dma_start3A_28] : memref<79x128xi32, #tpu.memory_space<vmem>> -> memref<1x128xi32, #tpu.memory_space<vmem>>
        %dma_start3A_30 = tpu.memref_squeeze %dma_start3A_29 : memref<1x128xi32, #tpu.memory_space<vmem>> -> memref<128xi32, #tpu.memory_space<vmem>>
        %dma_start3A_31 = arith.constant 0 : i32
        %dma_start3A_32 = arith.constant 0 : i32
        %dma_start3A_33 = tpu.memref_slice %arg12[%dma_start3A_31, %dma_start3A_32] : memref<10112x16xf32, #tpu.memory_space<vmem_shared>> -> memref<10112x16xf32, #tpu.memory_space<vmem_shared>>
        tpu.enqueue_indirect_dma source(%arg11 : memref<128x16xf32, #tpu.memory_space<vmem>>) target(%dma_start3A_33 : memref<10112x16xf32, #tpu.memory_space<vmem_shared>>) offsets(%dma_start3A_30 : memref<128xi32, #tpu.memory_space<vmem>>) semaphore(%run_scoped3A : memref<!tpu.dma_semaphore, #tpu.memory_space<semaphore_mem>>) {add = true}
        %dma_wait3A_34 = arith.constant 0 : i32
        %dma_wait3A_35 = tpu.memref_slice %arg9[%scan3A_15, %dma_wait3A_34] : memref<79x128xi32, #tpu.memory_space<vmem>> -> memref<1x128xi32, #tpu.memory_space<vmem>>
        %dma_wait3A_36 = tpu.memref_squeeze %dma_wait3A_35 : memref<1x128xi32, #tpu.memory_space<vmem>> -> memref<128xi32, #tpu.memory_space<vmem>>
        %dma_wait3A_37 = arith.constant 0 : i32
        %dma_wait3A_38 = arith.constant 0 : i32
        %dma_wait3A_39 = tpu.memref_slice %arg12[%dma_wait3A_37, %dma_wait3A_38] : memref<10112x16xf32, #tpu.memory_space<vmem_shared>> -> memref<10112x16xf32, #tpu.memory_space<vmem_shared>>
        tpu.wait_indirect_dma semaphore(%run_scoped3A : memref<!tpu.dma_semaphore, #tpu.memory_space<semaphore_mem>>) src(%arg11 : memref<128x16xf32, #tpu.memory_space<vmem>>) dst(%dma_wait3A_39 : memref<10112x16xf32, #tpu.memory_space<vmem_shared>>)
        tpu.yield
      }) : () -> ()
    }
    %scan3A_9 = arith.constant 79 : i32
    %barrier3A_10 = arith.constant 0 : index
    tpu.barrier barrier_id(%barrier3A_10)
    %mul3A_11 = arith.constant 632 : i32
    %mul3A_12 = arith.muli %arg1, %mul3A_11 : i32
    %mul3A_13 = arith.constant 632 : i32
    %mul3A_14 = arith.muli %arg1, %mul3A_13 : i32
    "tpu.region"() ({
      %run_scoped3A = tpu.sem_alloc : memref<!tpu.dma_semaphore, #tpu.memory_space<semaphore_mem>>
      %dma_start3A = arith.constant 0 : i32
      %dma_start3A_15 = tpu.memref_slice %arg7[%arg0, %mul3A_14, %dma_start3A] : memref<2x10112x16xf32, #tpu.memory_space<hbm>> -> memref<1x632x16xf32, #tpu.memory_space<hbm>>
      %dma_start3A_16 = tpu.memref_squeeze %dma_start3A_15 : memref<1x632x16xf32, #tpu.memory_space<hbm>> -> memref<632x16xf32, #tpu.memory_space<hbm>>
      %dma_start3A_17 = arith.constant 0 : i32
      %dma_start3A_18 = tpu.memref_slice %arg12[%mul3A_12, %dma_start3A_17] : memref<10112x16xf32, #tpu.memory_space<vmem_shared>> -> memref<632x16xf32, #tpu.memory_space<vmem_shared>>
      tpu.enqueue_dma source(%dma_start3A_18 : memref<632x16xf32, #tpu.memory_space<vmem_shared>>) target(%dma_start3A_16 : memref<632x16xf32, #tpu.memory_space<hbm>>) target_semaphore(%run_scoped3A : memref<!tpu.dma_semaphore, #tpu.memory_space<semaphore_mem>>)
      %dma_wait3A = arith.constant 0 : i32
      %dma_wait3A_19 = tpu.memref_slice %arg7[%arg0, %mul3A_14, %dma_wait3A] : memref<2x10112x16xf32, #tpu.memory_space<hbm>> -> memref<1x632x16xf32, #tpu.memory_space<hbm>>
      %dma_wait3A_20 = tpu.memref_squeeze %dma_wait3A_19 : memref<1x632x16xf32, #tpu.memory_space<hbm>> -> memref<632x16xf32, #tpu.memory_space<hbm>>
      %dma_wait3A_21 = arith.constant 0 : i32
      %dma_wait3A_22 = tpu.memref_slice %arg12[%mul3A_12, %dma_wait3A_21] : memref<10112x16xf32, #tpu.memory_space<vmem_shared>> -> memref<632x16xf32, #tpu.memory_space<vmem_shared>>
      tpu.wait_dma2 semaphore(%run_scoped3A : memref<!tpu.dma_semaphore, #tpu.memory_space<semaphore_mem>>) src(%dma_wait3A_22 : memref<632x16xf32, #tpu.memory_space<vmem_shared>>) dst(%dma_wait3A_20 : memref<632x16xf32, #tpu.memory_space<hbm>>)
      tpu.yield
    }) : () -> ()
    return
  }
}

#map = affine_map<(d0, d1) -> (0, 0)>
#map1 = affine_map<(d0, d1) -> (0, 0, 0)>
module attributes {stable_mosaic.version = 14 : i64} {
  func.func @body(%arg0: i32, %arg1: i32, %arg2: memref<10000x128xf32, #tpu.memory_space<hbm>>, %arg3: memref<32x79x128xi32, #tpu.memory_space<hbm>>, %arg4: memref<32x79x128xi32, #tpu.memory_space<hbm>>, %arg5: memref<10112x128xf32, #tpu.memory_space<hbm>>, %arg6: memref<2x10112x128xf32, #tpu.memory_space<hbm>>, %arg7: memref<79x128xi32, #tpu.memory_space<vmem>>, %arg8: memref<79x128xi32, #tpu.memory_space<vmem>>, %arg9: memref<128x128xf32, #tpu.memory_space<vmem>>, %arg10: memref<128x128xf32, #tpu.memory_space<vmem>>, %arg11: memref<10112x128xf32, #tpu.memory_space<vmem_shared>>, %arg12: memref<!tpu.dma_semaphore, #tpu.memory_space<semaphore_mem>>) attributes {dimension_semantics = [#tpu.dimension_semantics<core_parallel>, #tpu.dimension_semantics<subcore_parallel>], iteration_bounds = array<i64: 2, 16>, scalar_prefetch = 0 : i64, scratch_operands = 6 : i64, tpu.core_type = #tpu.core_type<sc_vector_subcore>, window_params = [{transform_indices = #map}, {transform_indices = #map1}, {transform_indices = #map1}, {transform_indices = #map}, {transform_indices = #map1}]} {
    %mul3A = arith.constant 16 : i32
    %mul3A_0 = arith.muli %arg0, %mul3A : i32
    %add3A = arith.addi %mul3A_0, %arg1 : i32
    %mul3A_1 = arith.constant 632 : i32
    %mul3A_2 = arith.muli %arg1, %mul3A_1 : i32
    %mul3A_3 = arith.constant 632 : i32
    %mul3A_4 = arith.muli %arg1, %mul3A_3 : i32
    "tpu.region"() ({
      %run_scoped3A = tpu.sem_alloc : memref<!tpu.dma_semaphore, #tpu.memory_space<semaphore_mem>>
      %dma_start3A = arith.constant 0 : i32
      %dma_start3A_15 = tpu.memref_slice %arg11[%mul3A_4, %dma_start3A] : memref<10112x128xf32, #tpu.memory_space<vmem_shared>> -> memref<632x128xf32, #tpu.memory_space<vmem_shared>>
      %dma_start3A_16 = arith.constant 0 : i32
      %dma_start3A_17 = tpu.memref_slice %arg5[%mul3A_2, %dma_start3A_16] : memref<10112x128xf32, #tpu.memory_space<hbm>> -> memref<632x128xf32, #tpu.memory_space<hbm>>
      tpu.enqueue_dma source(%dma_start3A_17 : memref<632x128xf32, #tpu.memory_space<hbm>>) target(%dma_start3A_15 : memref<632x128xf32, #tpu.memory_space<vmem_shared>>) target_semaphore(%run_scoped3A : memref<!tpu.dma_semaphore, #tpu.memory_space<semaphore_mem>>)
      %dma_wait3A = arith.constant 0 : i32
      %dma_wait3A_18 = tpu.memref_slice %arg11[%mul3A_4, %dma_wait3A] : memref<10112x128xf32, #tpu.memory_space<vmem_shared>> -> memref<632x128xf32, #tpu.memory_space<vmem_shared>>
      %dma_wait3A_19 = arith.constant 0 : i32
      %dma_wait3A_20 = tpu.memref_slice %arg5[%mul3A_2, %dma_wait3A_19] : memref<10112x128xf32, #tpu.memory_space<hbm>> -> memref<632x128xf32, #tpu.memory_space<hbm>>
      tpu.wait_dma2 semaphore(%run_scoped3A : memref<!tpu.dma_semaphore, #tpu.memory_space<semaphore_mem>>) src(%dma_wait3A_20 : memref<632x128xf32, #tpu.memory_space<hbm>>) dst(%dma_wait3A_18 : memref<632x128xf32, #tpu.memory_space<vmem_shared>>)
      tpu.yield
    }) : () -> ()
    "tpu.region"() ({
      %run_scoped3A = tpu.sem_alloc : memref<!tpu.dma_semaphore, #tpu.memory_space<semaphore_mem>>
      %dma_start3A = arith.constant 0 : i32
      %dma_start3A_15 = arith.constant 0 : i32
      %dma_start3A_16 = tpu.memref_slice %arg3[%add3A, %dma_start3A, %dma_start3A_15] : memref<32x79x128xi32, #tpu.memory_space<hbm>> -> memref<1x79x128xi32, #tpu.memory_space<hbm>>
      %dma_start3A_17 = tpu.memref_squeeze %dma_start3A_16 : memref<1x79x128xi32, #tpu.memory_space<hbm>> -> memref<79x128xi32, #tpu.memory_space<hbm>>
      %dma_start3A_18 = arith.constant 0 : i32
      %dma_start3A_19 = arith.constant 0 : i32
      %dma_start3A_20 = tpu.memref_slice %arg3[%add3A, %dma_start3A_18, %dma_start3A_19] : memref<32x79x128xi32, #tpu.memory_space<hbm>> -> memref<1x79x128xi32, #tpu.memory_space<hbm>>
      %dma_start3A_21 = tpu.memref_squeeze %dma_start3A_20 : memref<1x79x128xi32, #tpu.memory_space<hbm>> -> memref<79x128xi32, #tpu.memory_space<hbm>>
      tpu.enqueue_dma source(%dma_start3A_21 : memref<79x128xi32, #tpu.memory_space<hbm>>) target(%arg7 : memref<79x128xi32, #tpu.memory_space<vmem>>) target_semaphore(%run_scoped3A : memref<!tpu.dma_semaphore, #tpu.memory_space<semaphore_mem>>)
      %dma_wait3A = arith.constant 0 : i32
      %dma_wait3A_22 = arith.constant 0 : i32
      %dma_wait3A_23 = tpu.memref_slice %arg3[%add3A, %dma_wait3A, %dma_wait3A_22] : memref<32x79x128xi32, #tpu.memory_space<hbm>> -> memref<1x79x128xi32, #tpu.memory_space<hbm>>
      %dma_wait3A_24 = tpu.memref_squeeze %dma_wait3A_23 : memref<1x79x128xi32, #tpu.memory_space<hbm>> -> memref<79x128xi32, #tpu.memory_space<hbm>>
      %dma_wait3A_25 = arith.constant 0 : i32
      %dma_wait3A_26 = arith.constant 0 : i32
      %dma_wait3A_27 = tpu.memref_slice %arg3[%add3A, %dma_wait3A_25, %dma_wait3A_26] : memref<32x79x128xi32, #tpu.memory_space<hbm>> -> memref<1x79x128xi32, #tpu.memory_space<hbm>>
      %dma_wait3A_28 = tpu.memref_squeeze %dma_wait3A_27 : memref<1x79x128xi32, #tpu.memory_space<hbm>> -> memref<79x128xi32, #tpu.memory_space<hbm>>
      tpu.wait_dma2 semaphore(%run_scoped3A : memref<!tpu.dma_semaphore, #tpu.memory_space<semaphore_mem>>) src(%dma_wait3A_28 : memref<79x128xi32, #tpu.memory_space<hbm>>) dst(%arg7 : memref<79x128xi32, #tpu.memory_space<vmem>>)
      tpu.yield
    }) : () -> ()
    "tpu.region"() ({
      %run_scoped3A = tpu.sem_alloc : memref<!tpu.dma_semaphore, #tpu.memory_space<semaphore_mem>>
      %dma_start3A = arith.constant 0 : i32
      %dma_start3A_15 = arith.constant 0 : i32
      %dma_start3A_16 = tpu.memref_slice %arg4[%add3A, %dma_start3A, %dma_start3A_15] : memref<32x79x128xi32, #tpu.memory_space<hbm>> -> memref<1x79x128xi32, #tpu.memory_space<hbm>>
      %dma_start3A_17 = tpu.memref_squeeze %dma_start3A_16 : memref<1x79x128xi32, #tpu.memory_space<hbm>> -> memref<79x128xi32, #tpu.memory_space<hbm>>
      %dma_start3A_18 = arith.constant 0 : i32
      %dma_start3A_19 = arith.constant 0 : i32
      %dma_start3A_20 = tpu.memref_slice %arg4[%add3A, %dma_start3A_18, %dma_start3A_19] : memref<32x79x128xi32, #tpu.memory_space<hbm>> -> memref<1x79x128xi32, #tpu.memory_space<hbm>>
      %dma_start3A_21 = tpu.memref_squeeze %dma_start3A_20 : memref<1x79x128xi32, #tpu.memory_space<hbm>> -> memref<79x128xi32, #tpu.memory_space<hbm>>
      tpu.enqueue_dma source(%dma_start3A_21 : memref<79x128xi32, #tpu.memory_space<hbm>>) target(%arg8 : memref<79x128xi32, #tpu.memory_space<vmem>>) target_semaphore(%run_scoped3A : memref<!tpu.dma_semaphore, #tpu.memory_space<semaphore_mem>>)
      %dma_wait3A = arith.constant 0 : i32
      %dma_wait3A_22 = arith.constant 0 : i32
      %dma_wait3A_23 = tpu.memref_slice %arg4[%add3A, %dma_wait3A, %dma_wait3A_22] : memref<32x79x128xi32, #tpu.memory_space<hbm>> -> memref<1x79x128xi32, #tpu.memory_space<hbm>>
      %dma_wait3A_24 = tpu.memref_squeeze %dma_wait3A_23 : memref<1x79x128xi32, #tpu.memory_space<hbm>> -> memref<79x128xi32, #tpu.memory_space<hbm>>
      %dma_wait3A_25 = arith.constant 0 : i32
      %dma_wait3A_26 = arith.constant 0 : i32
      %dma_wait3A_27 = tpu.memref_slice %arg4[%add3A, %dma_wait3A_25, %dma_wait3A_26] : memref<32x79x128xi32, #tpu.memory_space<hbm>> -> memref<1x79x128xi32, #tpu.memory_space<hbm>>
      %dma_wait3A_28 = tpu.memref_squeeze %dma_wait3A_27 : memref<1x79x128xi32, #tpu.memory_space<hbm>> -> memref<79x128xi32, #tpu.memory_space<hbm>>
      tpu.wait_dma2 semaphore(%run_scoped3A : memref<!tpu.dma_semaphore, #tpu.memory_space<semaphore_mem>>) src(%dma_wait3A_28 : memref<79x128xi32, #tpu.memory_space<hbm>>) dst(%arg8 : memref<79x128xi32, #tpu.memory_space<vmem>>)
      tpu.yield
    }) : () -> ()
    %barrier3A = arith.constant 0 : index
    tpu.barrier barrier_id(%barrier3A)
    %scan3A = arith.constant 0 : i32
    %scan3A_5 = arith.constant 0 : i32
    %scan3A_6 = arith.constant 79 : i32
    %scan3A_7 = arith.addi %scan3A_5, %scan3A_6 : i32
    %scan3A_8 = arith.constant 1 : i32
    scf.for %scan3A_15 = %scan3A_5 to %scan3A_7 step %scan3A_8  : i32 {
      %dma_start3A = arith.constant 0 : i32
      %dma_start3A_16 = tpu.memref_slice %arg7[%scan3A_15, %dma_start3A] : memref<79x128xi32, #tpu.memory_space<vmem>> -> memref<1x128xi32, #tpu.memory_space<vmem>>
      %dma_start3A_17 = tpu.memref_squeeze %dma_start3A_16 : memref<1x128xi32, #tpu.memory_space<vmem>> -> memref<128xi32, #tpu.memory_space<vmem>>
      %dma_start3A_18 = arith.constant 0 : i32
      %dma_start3A_19 = arith.constant 0 : i32
      %dma_start3A_20 = tpu.memref_slice %arg2[%dma_start3A_18, %dma_start3A_19] : memref<10000x128xf32, #tpu.memory_space<hbm>> -> memref<10000x128xf32, #tpu.memory_space<hbm>>
      tpu.enqueue_indirect_dma source(%dma_start3A_20 : memref<10000x128xf32, #tpu.memory_space<hbm>>) target(%arg9 : memref<128x128xf32, #tpu.memory_space<vmem>>) offsets(%dma_start3A_17 : memref<128xi32, #tpu.memory_space<vmem>>) semaphore(%arg12 : memref<!tpu.dma_semaphore, #tpu.memory_space<semaphore_mem>>)
      %dma_wait3A = arith.constant 0 : i32
      %dma_wait3A_21 = tpu.memref_slice %arg7[%scan3A_15, %dma_wait3A] : memref<79x128xi32, #tpu.memory_space<vmem>> -> memref<1x128xi32, #tpu.memory_space<vmem>>
      %dma_wait3A_22 = tpu.memref_squeeze %dma_wait3A_21 : memref<1x128xi32, #tpu.memory_space<vmem>> -> memref<128xi32, #tpu.memory_space<vmem>>
      %dma_wait3A_23 = arith.constant 0 : i32
      %dma_wait3A_24 = arith.constant 0 : i32
      %dma_wait3A_25 = tpu.memref_slice %arg2[%dma_wait3A_23, %dma_wait3A_24] : memref<10000x128xf32, #tpu.memory_space<hbm>> -> memref<10000x128xf32, #tpu.memory_space<hbm>>
      tpu.wait_indirect_dma semaphore(%arg12 : memref<!tpu.dma_semaphore, #tpu.memory_space<semaphore_mem>>) src(%dma_wait3A_25 : memref<10000x128xf32, #tpu.memory_space<hbm>>) dst(%arg9 : memref<128x128xf32, #tpu.memory_space<vmem>>)
      "tpu.region"() ({
        %run_scoped3A = tpu.sem_alloc : memref<!tpu.dma_semaphore, #tpu.memory_space<semaphore_mem>>
        %dma_start3A_26 = arith.constant 0 : i32
        %dma_start3A_27 = tpu.memref_slice %arg8[%scan3A_15, %dma_start3A_26] : memref<79x128xi32, #tpu.memory_space<vmem>> -> memref<1x128xi32, #tpu.memory_space<vmem>>
        %dma_start3A_28 = tpu.memref_squeeze %dma_start3A_27 : memref<1x128xi32, #tpu.memory_space<vmem>> -> memref<128xi32, #tpu.memory_space<vmem>>
        %dma_start3A_29 = arith.constant 0 : i32
        %dma_start3A_30 = arith.constant 0 : i32
        %dma_start3A_31 = tpu.memref_slice %arg11[%dma_start3A_29, %dma_start3A_30] : memref<10112x128xf32, #tpu.memory_space<vmem_shared>> -> memref<10112x128xf32, #tpu.memory_space<vmem_shared>>
        tpu.enqueue_indirect_dma source(%arg9 : memref<128x128xf32, #tpu.memory_space<vmem>>) target(%dma_start3A_31 : memref<10112x128xf32, #tpu.memory_space<vmem_shared>>) offsets(%dma_start3A_28 : memref<128xi32, #tpu.memory_space<vmem>>) semaphore(%run_scoped3A : memref<!tpu.dma_semaphore, #tpu.memory_space<semaphore_mem>>) {add = true}
        %dma_wait3A_32 = arith.constant 0 : i32
        %dma_wait3A_33 = tpu.memref_slice %arg8[%scan3A_15, %dma_wait3A_32] : memref<79x128xi32, #tpu.memory_space<vmem>> -> memref<1x128xi32, #tpu.memory_space<vmem>>
        %dma_wait3A_34 = tpu.memref_squeeze %dma_wait3A_33 : memref<1x128xi32, #tpu.memory_space<vmem>> -> memref<128xi32, #tpu.memory_space<vmem>>
        %dma_wait3A_35 = arith.constant 0 : i32
        %dma_wait3A_36 = arith.constant 0 : i32
        %dma_wait3A_37 = tpu.memref_slice %arg11[%dma_wait3A_35, %dma_wait3A_36] : memref<10112x128xf32, #tpu.memory_space<vmem_shared>> -> memref<10112x128xf32, #tpu.memory_space<vmem_shared>>
        tpu.wait_indirect_dma semaphore(%run_scoped3A : memref<!tpu.dma_semaphore, #tpu.memory_space<semaphore_mem>>) src(%arg9 : memref<128x128xf32, #tpu.memory_space<vmem>>) dst(%dma_wait3A_37 : memref<10112x128xf32, #tpu.memory_space<vmem_shared>>)
        tpu.yield
      }) : () -> ()
    }
    %scan3A_9 = arith.constant 79 : i32
    %barrier3A_10 = arith.constant 0 : index
    tpu.barrier barrier_id(%barrier3A_10)
    %mul3A_11 = arith.constant 632 : i32
    %mul3A_12 = arith.muli %arg1, %mul3A_11 : i32
    %mul3A_13 = arith.constant 632 : i32
    %mul3A_14 = arith.muli %arg1, %mul3A_13 : i32
    "tpu.region"() ({
      %run_scoped3A = tpu.sem_alloc : memref<!tpu.dma_semaphore, #tpu.memory_space<semaphore_mem>>
      %dma_start3A = arith.constant 0 : i32
      %dma_start3A_15 = tpu.memref_slice %arg6[%arg0, %mul3A_14, %dma_start3A] : memref<2x10112x128xf32, #tpu.memory_space<hbm>> -> memref<1x632x128xf32, #tpu.memory_space<hbm>>
      %dma_start3A_16 = tpu.memref_squeeze %dma_start3A_15 : memref<1x632x128xf32, #tpu.memory_space<hbm>> -> memref<632x128xf32, #tpu.memory_space<hbm>>
      %dma_start3A_17 = arith.constant 0 : i32
      %dma_start3A_18 = tpu.memref_slice %arg11[%mul3A_12, %dma_start3A_17] : memref<10112x128xf32, #tpu.memory_space<vmem_shared>> -> memref<632x128xf32, #tpu.memory_space<vmem_shared>>
      tpu.enqueue_dma source(%dma_start3A_18 : memref<632x128xf32, #tpu.memory_space<vmem_shared>>) target(%dma_start3A_16 : memref<632x128xf32, #tpu.memory_space<hbm>>) target_semaphore(%run_scoped3A : memref<!tpu.dma_semaphore, #tpu.memory_space<semaphore_mem>>)
      %dma_wait3A = arith.constant 0 : i32
      %dma_wait3A_19 = tpu.memref_slice %arg6[%arg0, %mul3A_14, %dma_wait3A] : memref<2x10112x128xf32, #tpu.memory_space<hbm>> -> memref<1x632x128xf32, #tpu.memory_space<hbm>>
      %dma_wait3A_20 = tpu.memref_squeeze %dma_wait3A_19 : memref<1x632x128xf32, #tpu.memory_space<hbm>> -> memref<632x128xf32, #tpu.memory_space<hbm>>
      %dma_wait3A_21 = arith.constant 0 : i32
      %dma_wait3A_22 = tpu.memref_slice %arg11[%mul3A_12, %dma_wait3A_21] : memref<10112x128xf32, #tpu.memory_space<vmem_shared>> -> memref<632x128xf32, #tpu.memory_space<vmem_shared>>
      tpu.wait_dma2 semaphore(%run_scoped3A : memref<!tpu.dma_semaphore, #tpu.memory_space<semaphore_mem>>) src(%dma_wait3A_22 : memref<632x128xf32, #tpu.memory_space<vmem_shared>>) dst(%dma_wait3A_20 : memref<632x128xf32, #tpu.memory_space<hbm>>)
      tpu.yield
    }) : () -> ()
    return
  }
}

module attributes {stable_mosaic.version = 14 : i64} {
  func.func @body(%arg0: memref<2x10112x16xf32, #tpu.memory_space<vmem>>, %arg1: memref<10000x16xf32, #tpu.memory_space<vmem>>, %arg2: memref<2x128xf32, #tpu.memory_space<vmem>>, %arg3: memref<3x128xf32, #tpu.memory_space<vmem>>, %arg4: memref<1x128xf32, #tpu.memory_space<vmem>>, %arg5: memref<256x256xf32, #tpu.memory_space<vmem>>, %arg6: memref<1x256xf32, #tpu.memory_space<vmem>>, %arg7: memref<1x256xf32, #tpu.memory_space<vmem>>, %arg8: memref<1x256xf32, #tpu.memory_space<vmem>>, %arg9: memref<256x128xf32, #tpu.memory_space<vmem>>, %arg10: memref<1x128xf32, #tpu.memory_space<vmem>>, %arg11: memref<10000x128xf32, #tpu.memory_space<vmem>>, %arg12: memref<10000x16xf32, #tpu.memory_space<vmem>>) attributes {dimension_semantics = [], scalar_prefetch = 0 : i64, scratch_operands = 0 : i64, tpu.core_type = #tpu.core_type<tc>} {
    %get3A = arith.constant 0 : index
    %get3A_0 = arith.constant 0 : index
    %get3A_1 = arith.constant 0 : index
    %get3A_2 = vector.load %arg0[%get3A, %get3A_0, %get3A_1] : memref<2x10112x16xf32, #tpu.memory_space<vmem>>, vector<1x10000x16xf32>
    %get3A_3 = vector.shape_cast %get3A_2 : vector<1x10000x16xf32> to vector<10000x16xf32>
    %get3A_4 = arith.constant 1 : index
    %get3A_5 = arith.constant 0 : index
    %get3A_6 = arith.constant 0 : index
    %get3A_7 = vector.load %arg0[%get3A_4, %get3A_5, %get3A_6] : memref<2x10112x16xf32, #tpu.memory_space<vmem>>, vector<1x10000x16xf32>
    %get3A_8 = vector.shape_cast %get3A_7 : vector<1x10000x16xf32> to vector<10000x16xf32>
    %add3A = arith.addf %get3A_3, %get3A_8 : vector<10000x16xf32>
    %get3A_9 = arith.constant 0 : index
    %get3A_10 = arith.constant 0 : index
    %get3A_11 = vector.load %arg1[%get3A_9, %get3A_10] : memref<10000x16xf32, #tpu.memory_space<vmem>>, vector<10000x16xf32>
    %add3A_12 = arith.addf %add3A, %get3A_11 : vector<10000x16xf32>
    %swap3A = arith.constant 0 : index
    %swap3A_13 = arith.constant 0 : index
    %swap3A_14 = vector.load %arg12[%swap3A, %swap3A_13] : memref<10000x16xf32, #tpu.memory_space<vmem>>, vector<10000x16xf32>
    tpu.vector_store %arg12[%swap3A, %swap3A_13], %add3A_12 {strides = array<i32>} : memref<10000x16xf32, #tpu.memory_space<vmem>>, vector<10000x16xf32>,
    %get3A_15 = arith.constant 0 : index
    %get3A_16 = arith.constant 0 : index
    %get3A_17 = vector.load %arg2[%get3A_15, %get3A_16] : memref<2x128xf32, #tpu.memory_space<vmem>>, vector<1x128xf32>
    %get3A_18 = arith.constant 1 : index
    %get3A_19 = arith.constant 0 : index
    %get3A_20 = vector.load %arg2[%get3A_18, %get3A_19] : memref<2x128xf32, #tpu.memory_space<vmem>>, vector<1x128xf32>
    %sub3A = arith.subf %get3A_20, %get3A_17 : vector<1x128xf32>
    %slice3A = vector.extract_strided_slice %add3A_12 {offsets = [0, 0], sizes = [10000, 1], strides = [1, 1]} : vector<10000x16xf32> to vector<10000x1xf32>
    %slice3A_21 = vector.extract_strided_slice %add3A_12 {offsets = [0, 1], sizes = [10000, 1], strides = [1, 1]} : vector<10000x16xf32> to vector<10000x1xf32>
    %mul3A = vector.broadcast %slice3A : vector<10000x1xf32> to vector<10000x128xf32>
    %mul3A_22 = vector.broadcast %get3A_17 : vector<1x128xf32> to vector<10000x128xf32>
    %mul3A_23 = arith.mulf %mul3A, %mul3A_22 : vector<10000x128xf32>
    %mul3A_24 = vector.broadcast %slice3A_21 : vector<10000x1xf32> to vector<10000x128xf32>
    %mul3A_25 = vector.broadcast %sub3A : vector<1x128xf32> to vector<10000x128xf32>
    %mul3A_26 = arith.mulf %mul3A_24, %mul3A_25 : vector<10000x128xf32>
    %add3A_27 = arith.addf %mul3A_23, %mul3A_26 : vector<10000x128xf32>
    %get3A_28 = arith.constant 0 : index
    %get3A_29 = arith.constant 0 : index
    %get3A_30 = vector.load %arg3[%get3A_28, %get3A_29] : memref<3x128xf32, #tpu.memory_space<vmem>>, vector<3x128xf32>
    %convert_element_type3A = arith.truncf %get3A_30 : vector<3x128xf32> to vector<3x128xbf16>
    %convert_element_type3A_31 = arith.extf %convert_element_type3A : vector<3x128xbf16> to vector<3x128xf32>
    %slice3A_32 = vector.extract_strided_slice %add3A_12 {offsets = [0, 2], sizes = [10000, 1], strides = [1, 1]} : vector<10000x16xf32> to vector<10000x1xf32>
    %slice3A_33 = vector.extract_strided_slice %convert_element_type3A_31 {offsets = [0, 0], sizes = [1, 128], strides = [1, 1]} : vector<3x128xf32> to vector<1x128xf32>
    %mul3A_34 = vector.broadcast %slice3A_32 : vector<10000x1xf32> to vector<10000x128xf32>
    %mul3A_35 = vector.broadcast %slice3A_33 : vector<1x128xf32> to vector<10000x128xf32>
    %mul3A_36 = arith.mulf %mul3A_34, %mul3A_35 : vector<10000x128xf32>
    %slice3A_37 = vector.extract_strided_slice %add3A_12 {offsets = [0, 3], sizes = [10000, 1], strides = [1, 1]} : vector<10000x16xf32> to vector<10000x1xf32>
    %slice3A_38 = vector.extract_strided_slice %convert_element_type3A_31 {offsets = [1, 0], sizes = [1, 128], strides = [1, 1]} : vector<3x128xf32> to vector<1x128xf32>
    %mul3A_39 = vector.broadcast %slice3A_37 : vector<10000x1xf32> to vector<10000x128xf32>
    %mul3A_40 = vector.broadcast %slice3A_38 : vector<1x128xf32> to vector<10000x128xf32>
    %mul3A_41 = arith.mulf %mul3A_39, %mul3A_40 : vector<10000x128xf32>
    %add3A_42 = arith.addf %mul3A_36, %mul3A_41 : vector<10000x128xf32>
    %slice3A_43 = vector.extract_strided_slice %add3A_12 {offsets = [0, 4], sizes = [10000, 1], strides = [1, 1]} : vector<10000x16xf32> to vector<10000x1xf32>
    %slice3A_44 = vector.extract_strided_slice %convert_element_type3A_31 {offsets = [2, 0], sizes = [1, 128], strides = [1, 1]} : vector<3x128xf32> to vector<1x128xf32>
    %mul3A_45 = vector.broadcast %slice3A_43 : vector<10000x1xf32> to vector<10000x128xf32>
    %mul3A_46 = vector.broadcast %slice3A_44 : vector<1x128xf32> to vector<10000x128xf32>
    %mul3A_47 = arith.mulf %mul3A_45, %mul3A_46 : vector<10000x128xf32>
    %add3A_48 = arith.addf %add3A_42, %mul3A_47 : vector<10000x128xf32>
    %get3A_49 = arith.constant 0 : index
    %get3A_50 = arith.constant 0 : index
    %get3A_51 = vector.load %arg4[%get3A_49, %get3A_50] : memref<1x128xf32, #tpu.memory_space<vmem>>, vector<1x128xf32>
    %mul3A_52 = vector.broadcast %slice3A : vector<10000x1xf32> to vector<10000x128xf32>
    %mul3A_53 = vector.broadcast %get3A_51 : vector<1x128xf32> to vector<10000x128xf32>
    %mul3A_54 = arith.mulf %mul3A_52, %mul3A_53 : vector<10000x128xf32>
    %add3A_55 = arith.addf %add3A_48, %mul3A_54 : vector<10000x128xf32>
    %concatenate3A = tpu.concatenate %add3A_27, %add3A_55 in 1 : vector<10000x128xf32>, vector<10000x128xf32> -> vector<10000x256xf32>
    %get3A_56 = arith.constant 0 : index
    %get3A_57 = arith.constant 0 : index
    %get3A_58 = vector.load %arg5[%get3A_56, %get3A_57] : memref<256x256xf32, #tpu.memory_space<vmem>>, vector<256x256xf32>
    %dot_general3A = arith.constant dense<0.000000e+00> : vector<10000x256xf32>
    %dot_general3A_59 = tpu.matmul %concatenate3A, %get3A_58, %dot_general3A {dimension_numbers = #tpu.dot_dimension_numbers<[1], [0], [0], [1], [0, 0, 1, 1], [], []>, transpose_lhs_hint = false} : vector<10000x256xf32>, vector<256x256xf32>, vector<10000x256xf32> -> vector<10000x256xf32>
    %get3A_60 = arith.constant 0 : index
    %get3A_61 = arith.constant 0 : index
    %get3A_62 = vector.load %arg6[%get3A_60, %get3A_61] : memref<1x256xf32, #tpu.memory_space<vmem>>, vector<1x256xf32>
    %add3A_63 = vector.broadcast %get3A_62 : vector<1x256xf32> to vector<10000x256xf32>
    %add3A_64 = arith.addf %dot_general3A_59, %add3A_63 : vector<10000x256xf32>
    %reduce_sum3A = arith.constant dense<0.000000e+00> : vector<256xf32>
    %reduce_sum3A_65 = vector.multi_reduction <add>, %add3A_64, %reduce_sum3A [0] : vector<10000x256xf32> to vector<256xf32>
    %broadcast_in_dim3A = vector.shape_cast %reduce_sum3A_65 : vector<256xf32> to vector<1x256xf32>
    %div3A = arith.constant 1.000000e+04 : f32
    %div3A_66 = vector.broadcast %div3A : f32 to vector<1x256xf32>
    %div3A_67 = arith.divf %broadcast_in_dim3A, %div3A_66 : vector<1x256xf32>
    %sub3A_68 = vector.broadcast %div3A_67 : vector<1x256xf32> to vector<10000x256xf32>
    %sub3A_69 = arith.subf %add3A_64, %sub3A_68 : vector<10000x256xf32>
    %sub3A_70 = vector.broadcast %div3A_67 : vector<1x256xf32> to vector<10000x256xf32>
    %sub3A_71 = arith.subf %add3A_64, %sub3A_70 : vector<10000x256xf32>
    %mul3A_72 = arith.mulf %sub3A_69, %sub3A_71 : vector<10000x256xf32>
    %reduce_sum3A_73 = arith.constant dense<0.000000e+00> : vector<256xf32>
    %reduce_sum3A_74 = vector.multi_reduction <add>, %mul3A_72, %reduce_sum3A_73 [0] : vector<10000x256xf32> to vector<256xf32>
    %broadcast_in_dim3A_75 = vector.shape_cast %reduce_sum3A_74 : vector<256xf32> to vector<1x256xf32>
    %div3A_76 = arith.constant 1.000000e+04 : f32
    %div3A_77 = vector.broadcast %div3A_76 : f32 to vector<1x256xf32>
    %div3A_78 = arith.divf %broadcast_in_dim3A_75, %div3A_77 : vector<1x256xf32>
    %sub3A_79 = vector.broadcast %div3A_67 : vector<1x256xf32> to vector<10000x256xf32>
    %sub3A_80 = arith.subf %add3A_64, %sub3A_79 : vector<10000x256xf32>
    %add3A_81 = arith.constant 9.99999974E-6 : f32
    %add3A_82 = vector.broadcast %add3A_81 : f32 to vector<1x256xf32>
    %add3A_83 = arith.addf %div3A_78, %add3A_82 : vector<1x256xf32>
    %sqrt3A = math.sqrt %add3A_83 : vector<1x256xf32>
    %div3A_84 = vector.broadcast %sqrt3A : vector<1x256xf32> to vector<10000x256xf32>
    %div3A_85 = arith.divf %sub3A_80, %div3A_84 : vector<10000x256xf32>
    %get3A_86 = arith.constant 0 : index
    %get3A_87 = arith.constant 0 : index
    %get3A_88 = vector.load %arg7[%get3A_86, %get3A_87] : memref<1x256xf32, #tpu.memory_space<vmem>>, vector<1x256xf32>
    %mul3A_89 = vector.broadcast %get3A_88 : vector<1x256xf32> to vector<10000x256xf32>
    %mul3A_90 = arith.mulf %div3A_85, %mul3A_89 : vector<10000x256xf32>
    %get3A_91 = arith.constant 0 : index
    %get3A_92 = arith.constant 0 : index
    %get3A_93 = vector.load %arg8[%get3A_91, %get3A_92] : memref<1x256xf32, #tpu.memory_space<vmem>>, vector<1x256xf32>
    %add3A_94 = vector.broadcast %get3A_93 : vector<1x256xf32> to vector<10000x256xf32>
    %add3A_95 = arith.addf %mul3A_90, %add3A_94 : vector<10000x256xf32>
    %max3A = arith.constant 0.000000e+00 : f32
    %max3A_96 = vector.broadcast %max3A : f32 to vector<10000x256xf32>
    %max3A_97 = arith.maximumf %add3A_95, %max3A_96 : vector<10000x256xf32>
    %get3A_98 = arith.constant 0 : index
    %get3A_99 = arith.constant 0 : index
    %get3A_100 = vector.load %arg9[%get3A_98, %get3A_99] : memref<256x128xf32, #tpu.memory_space<vmem>>, vector<256x128xf32>
    %dot_general3A_101 = arith.constant dense<0.000000e+00> : vector<10000x128xf32>
    %dot_general3A_102 = tpu.matmul %max3A_97, %get3A_100, %dot_general3A_101 {dimension_numbers = #tpu.dot_dimension_numbers<[1], [0], [0], [1], [0, 0, 1, 1], [], []>, transpose_lhs_hint = false} : vector<10000x256xf32>, vector<256x128xf32>, vector<10000x128xf32> -> vector<10000x128xf32>
    %get3A_103 = arith.constant 0 : index
    %get3A_104 = arith.constant 0 : index
    %get3A_105 = vector.load %arg10[%get3A_103, %get3A_104] : memref<1x128xf32, #tpu.memory_space<vmem>>, vector<1x128xf32>
    %add3A_106 = vector.broadcast %get3A_105 : vector<1x128xf32> to vector<10000x128xf32>
    %add3A_107 = arith.addf %dot_general3A_102, %add3A_106 : vector<10000x128xf32>
    %max3A_108 = arith.constant 0.000000e+00 : f32
    %max3A_109 = vector.broadcast %max3A_108 : f32 to vector<10000x128xf32>
    %max3A_110 = arith.maximumf %add3A_107, %max3A_109 : vector<10000x128xf32>
    %swap3A_111 = arith.constant 0 : index
    %swap3A_112 = arith.constant 0 : index
    %swap3A_113 = vector.load %arg11[%swap3A_111, %swap3A_112] : memref<10000x128xf32, #tpu.memory_space<vmem>>, vector<10000x128xf32>
    tpu.vector_store %arg11[%swap3A_111, %swap3A_112], %max3A_110 {strides = array<i32>} : memref<10000x128xf32, #tpu.memory_space<vmem>>, vector<10000x128xf32>,
    return
  }
}

module attributes {stable_mosaic.version = 14 : i64} {
  func.func @body_a(%arg0: i32, %arg1: memref<2x2000x128xf32, #tpu.memory_space<vmem>>, %arg2: memref<2000x128xf32, #tpu.memory_space<vmem>>, %arg3: memref<2000x16xf32, #tpu.memory_space<vmem>>, %arg4: memref<3x128xf32, #tpu.memory_space<vmem>>, %arg5: memref<1x128xf32, #tpu.memory_space<vmem>>, %arg6: memref<256x256xf32, #tpu.memory_space<vmem>>, %arg7: memref<1x256xf32, #tpu.memory_space<vmem>>, %arg8: memref<2000x256xf32, #tpu.memory_space<vmem>>) attributes {dimension_semantics = [#tpu.dimension_semantics<arbitrary>], iteration_bounds = array<i64: 5>, scalar_prefetch = 0 : i64, scratch_operands = 0 : i64, tpu.core_type = #tpu.core_type<tc>, window_params = [{transform_indices = @transform_0, window_bounds = array<i64: 2, 2000, 128>}, {transform_indices = @transform_1, window_bounds = array<i64: 2000, 128>}, {transform_indices = @transform_2, window_bounds = array<i64: 2000, 16>}, {pipeline_mode = #tpu.pipeline_mode<synchronous>, transform_indices = @transform_3, window_bounds = array<i64: 3, 128>}, {pipeline_mode = #tpu.pipeline_mode<synchronous>, transform_indices = @transform_4, window_bounds = array<i64: 1, 128>}, {pipeline_mode = #tpu.pipeline_mode<synchronous>, transform_indices = @transform_5, window_bounds = array<i64: 256, 256>}, {pipeline_mode = #tpu.pipeline_mode<synchronous>, transform_indices = @transform_6, window_bounds = array<i64: 1, 256>}, {transform_indices = @transform_7, window_bounds = array<i64: 2000, 256>}]} {
    %get3A = arith.constant 0 : index
    %get3A_0 = arith.constant 0 : index
    %get3A_1 = arith.constant 0 : index
    %get3A_2 = vector.load %arg1[%get3A, %get3A_0, %get3A_1] : memref<2x2000x128xf32, #tpu.memory_space<vmem>>, vector<1x2000x128xf32>
    %get3A_3 = vector.shape_cast %get3A_2 : vector<1x2000x128xf32> to vector<2000x128xf32>
    %get3A_4 = arith.constant 1 : index
    %get3A_5 = arith.constant 0 : index
    %get3A_6 = arith.constant 0 : index
    %get3A_7 = vector.load %arg1[%get3A_4, %get3A_5, %get3A_6] : memref<2x2000x128xf32, #tpu.memory_space<vmem>>, vector<1x2000x128xf32>
    %get3A_8 = vector.shape_cast %get3A_7 : vector<1x2000x128xf32> to vector<2000x128xf32>
    %add3A = arith.addf %get3A_3, %get3A_8 : vector<2000x128xf32>
    %get3A_9 = arith.constant 0 : index
    %get3A_10 = arith.constant 0 : index
    %get3A_11 = vector.load %arg2[%get3A_9, %get3A_10] : memref<2000x128xf32, #tpu.memory_space<vmem>>, vector<2000x128xf32>
    %add3A_12 = arith.addf %add3A, %get3A_11 : vector<2000x128xf32>
    %get3A_13 = arith.constant 0 : index
    %get3A_14 = arith.constant 0 : index
    %get3A_15 = vector.load %arg3[%get3A_13, %get3A_14] : memref<2000x16xf32, #tpu.memory_space<vmem>>, vector<2000x16xf32>
    %get3A_16 = arith.constant 0 : index
    %get3A_17 = arith.constant 0 : index
    %get3A_18 = vector.load %arg4[%get3A_16, %get3A_17] : memref<3x128xf32, #tpu.memory_space<vmem>>, vector<3x128xf32>
    %convert_element_type3A = arith.truncf %get3A_18 : vector<3x128xf32> to vector<3x128xbf16>
    %convert_element_type3A_19 = arith.extf %convert_element_type3A : vector<3x128xbf16> to vector<3x128xf32>
    %slice3A = vector.extract_strided_slice %get3A_15 {offsets = [0, 2], sizes = [2000, 1], strides = [1, 1]} : vector<2000x16xf32> to vector<2000x1xf32>
    %slice3A_20 = vector.extract_strided_slice %convert_element_type3A_19 {offsets = [0, 0], sizes = [1, 128], strides = [1, 1]} : vector<3x128xf32> to vector<1x128xf32>
    %mul3A = vector.broadcast %slice3A : vector<2000x1xf32> to vector<2000x128xf32>
    %mul3A_21 = vector.broadcast %slice3A_20 : vector<1x128xf32> to vector<2000x128xf32>
    %mul3A_22 = arith.mulf %mul3A, %mul3A_21 : vector<2000x128xf32>
    %slice3A_23 = vector.extract_strided_slice %get3A_15 {offsets = [0, 3], sizes = [2000, 1], strides = [1, 1]} : vector<2000x16xf32> to vector<2000x1xf32>
    %slice3A_24 = vector.extract_strided_slice %convert_element_type3A_19 {offsets = [1, 0], sizes = [1, 128], strides = [1, 1]} : vector<3x128xf32> to vector<1x128xf32>
    %mul3A_25 = vector.broadcast %slice3A_23 : vector<2000x1xf32> to vector<2000x128xf32>
    %mul3A_26 = vector.broadcast %slice3A_24 : vector<1x128xf32> to vector<2000x128xf32>
    %mul3A_27 = arith.mulf %mul3A_25, %mul3A_26 : vector<2000x128xf32>
    %add3A_28 = arith.addf %mul3A_22, %mul3A_27 : vector<2000x128xf32>
    %slice3A_29 = vector.extract_strided_slice %get3A_15 {offsets = [0, 4], sizes = [2000, 1], strides = [1, 1]} : vector<2000x16xf32> to vector<2000x1xf32>
    %slice3A_30 = vector.extract_strided_slice %convert_element_type3A_19 {offsets = [2, 0], sizes = [1, 128], strides = [1, 1]} : vector<3x128xf32> to vector<1x128xf32>
    %mul3A_31 = vector.broadcast %slice3A_29 : vector<2000x1xf32> to vector<2000x128xf32>
    %mul3A_32 = vector.broadcast %slice3A_30 : vector<1x128xf32> to vector<2000x128xf32>
    %mul3A_33 = arith.mulf %mul3A_31, %mul3A_32 : vector<2000x128xf32>
    %add3A_34 = arith.addf %add3A_28, %mul3A_33 : vector<2000x128xf32>
    %slice3A_35 = vector.extract_strided_slice %get3A_15 {offsets = [0, 0], sizes = [2000, 1], strides = [1, 1]} : vector<2000x16xf32> to vector<2000x1xf32>
    %get3A_36 = arith.constant 0 : index
    %get3A_37 = arith.constant 0 : index
    %get3A_38 = vector.load %arg5[%get3A_36, %get3A_37] : memref<1x128xf32, #tpu.memory_space<vmem>>, vector<1x128xf32>
    %mul3A_39 = vector.broadcast %slice3A_35 : vector<2000x1xf32> to vector<2000x128xf32>
    %mul3A_40 = vector.broadcast %get3A_38 : vector<1x128xf32> to vector<2000x128xf32>
    %mul3A_41 = arith.mulf %mul3A_39, %mul3A_40 : vector<2000x128xf32>
    %add3A_42 = arith.addf %add3A_34, %mul3A_41 : vector<2000x128xf32>
    %concatenate3A = tpu.concatenate %add3A_12, %add3A_42 in 1 : vector<2000x128xf32>, vector<2000x128xf32> -> vector<2000x256xf32>
    %get3A_43 = arith.constant 0 : index
    %get3A_44 = arith.constant 0 : index
    %get3A_45 = vector.load %arg6[%get3A_43, %get3A_44] : memref<256x256xf32, #tpu.memory_space<vmem>>, vector<256x256xf32>
    %dot_general3A = arith.constant dense<0.000000e+00> : vector<2000x256xf32>
    %dot_general3A_46 = tpu.matmul %concatenate3A, %get3A_45, %dot_general3A {dimension_numbers = #tpu.dot_dimension_numbers<[1], [0], [0], [1], [0, 0, 1, 1], [], []>, transpose_lhs_hint = false} : vector<2000x256xf32>, vector<256x256xf32>, vector<2000x256xf32> -> vector<2000x256xf32>
    %get3A_47 = arith.constant 0 : index
    %get3A_48 = arith.constant 0 : index
    %get3A_49 = vector.load %arg7[%get3A_47, %get3A_48] : memref<1x256xf32, #tpu.memory_space<vmem>>, vector<1x256xf32>
    %add3A_50 = vector.broadcast %get3A_49 : vector<1x256xf32> to vector<2000x256xf32>
    %add3A_51 = arith.addf %dot_general3A_46, %add3A_50 : vector<2000x256xf32>
    %swap3A = arith.constant 0 : index
    %swap3A_52 = arith.constant 0 : index
    %swap3A_53 = vector.load %arg8[%swap3A, %swap3A_52] : memref<2000x256xf32, #tpu.memory_space<vmem>>, vector<2000x256xf32>
    tpu.vector_store %arg8[%swap3A, %swap3A_52], %add3A_51 {strides = array<i32>} : memref<2000x256xf32, #tpu.memory_space<vmem>>, vector<2000x256xf32>,
    return
  }
  func.func @transform_0(%arg0: i32) -> (i32, i32, i32) {
    %c0_i32 = arith.constant 0 : i32
    %c0_i32_0 = arith.constant 0 : i32
    %c0_i32_1 = arith.constant 0 : i32
    return %c0_i32, %arg0, %c0_i32_0 : i32, i32, i32
  }
  func.func @transform_1(%arg0: i32) -> (i32, i32) {
    %c0_i32 = arith.constant 0 : i32
    %c0_i32_0 = arith.constant 0 : i32
    return %arg0, %c0_i32 : i32, i32
  }
  func.func @transform_2(%arg0: i32) -> (i32, i32) {
    %c0_i32 = arith.constant 0 : i32
    %c0_i32_0 = arith.constant 0 : i32
    return %arg0, %c0_i32 : i32, i32
  }
  func.func @transform_3(%arg0: i32) -> (i32, i32) {
    %c0_i32 = arith.constant 0 : i32
    %c0_i32_0 = arith.constant 0 : i32
    %c0_i32_1 = arith.constant 0 : i32
    return %c0_i32, %c0_i32_0 : i32, i32
  }
  func.func @transform_4(%arg0: i32) -> (i32, i32) {
    %c0_i32 = arith.constant 0 : i32
    %c0_i32_0 = arith.constant 0 : i32
    %c0_i32_1 = arith.constant 0 : i32
    return %c0_i32, %c0_i32_0 : i32, i32
  }
  func.func @transform_5(%arg0: i32) -> (i32, i32) {
    %c0_i32 = arith.constant 0 : i32
    %c0_i32_0 = arith.constant 0 : i32
    %c0_i32_1 = arith.constant 0 : i32
    return %c0_i32, %c0_i32_0 : i32, i32
  }
  func.func @transform_6(%arg0: i32) -> (i32, i32) {
    %c0_i32 = arith.constant 0 : i32
    %c0_i32_0 = arith.constant 0 : i32
    %c0_i32_1 = arith.constant 0 : i32
    return %c0_i32, %c0_i32_0 : i32, i32
  }
  func.func @transform_7(%arg0: i32) -> (i32, i32) {
    %c0_i32 = arith.constant 0 : i32
    %c0_i32_0 = arith.constant 0 : i32
    return %arg0, %c0_i32 : i32, i32
  }
}

module attributes {stable_mosaic.version = 14 : i64} {
  func.func @body_b(%arg0: memref<10000x256xf32, #tpu.memory_space<vmem>>, %arg1: memref<1x256xf32, #tpu.memory_space<vmem>>, %arg2: memref<1x256xf32, #tpu.memory_space<vmem>>, %arg3: memref<256x128xf32, #tpu.memory_space<vmem>>, %arg4: memref<1x128xf32, #tpu.memory_space<vmem>>, %arg5: memref<10000x128xf32, #tpu.memory_space<vmem>>) attributes {dimension_semantics = [], scalar_prefetch = 0 : i64, scratch_operands = 0 : i64, tpu.core_type = #tpu.core_type<tc>} {
    %get3A = arith.constant 0 : index
    %get3A_0 = arith.constant 0 : index
    %get3A_1 = vector.load %arg0[%get3A, %get3A_0] : memref<10000x256xf32, #tpu.memory_space<vmem>>, vector<10000x256xf32>
    %reduce_sum3A = arith.constant dense<0.000000e+00> : vector<256xf32>
    %reduce_sum3A_2 = vector.multi_reduction <add>, %get3A_1, %reduce_sum3A [0] : vector<10000x256xf32> to vector<256xf32>
    %broadcast_in_dim3A = vector.shape_cast %reduce_sum3A_2 : vector<256xf32> to vector<1x256xf32>
    %div3A = arith.constant 1.000000e+04 : f32
    %div3A_3 = vector.broadcast %div3A : f32 to vector<1x256xf32>
    %div3A_4 = arith.divf %broadcast_in_dim3A, %div3A_3 : vector<1x256xf32>
    %sub3A = vector.broadcast %div3A_4 : vector<1x256xf32> to vector<10000x256xf32>
    %sub3A_5 = arith.subf %get3A_1, %sub3A : vector<10000x256xf32>
    %sub3A_6 = vector.broadcast %div3A_4 : vector<1x256xf32> to vector<10000x256xf32>
    %sub3A_7 = arith.subf %get3A_1, %sub3A_6 : vector<10000x256xf32>
    %mul3A = arith.mulf %sub3A_5, %sub3A_7 : vector<10000x256xf32>
    %reduce_sum3A_8 = arith.constant dense<0.000000e+00> : vector<256xf32>
    %reduce_sum3A_9 = vector.multi_reduction <add>, %mul3A, %reduce_sum3A_8 [0] : vector<10000x256xf32> to vector<256xf32>
    %broadcast_in_dim3A_10 = vector.shape_cast %reduce_sum3A_9 : vector<256xf32> to vector<1x256xf32>
    %div3A_11 = arith.constant 1.000000e+04 : f32
    %div3A_12 = vector.broadcast %div3A_11 : f32 to vector<1x256xf32>
    %div3A_13 = arith.divf %broadcast_in_dim3A_10, %div3A_12 : vector<1x256xf32>
    %sub3A_14 = vector.broadcast %div3A_4 : vector<1x256xf32> to vector<10000x256xf32>
    %sub3A_15 = arith.subf %get3A_1, %sub3A_14 : vector<10000x256xf32>
    %add3A = arith.constant 9.99999974E-6 : f32
    %add3A_16 = vector.broadcast %add3A : f32 to vector<1x256xf32>
    %add3A_17 = arith.addf %div3A_13, %add3A_16 : vector<1x256xf32>
    %sqrt3A = math.sqrt %add3A_17 : vector<1x256xf32>
    %div3A_18 = vector.broadcast %sqrt3A : vector<1x256xf32> to vector<10000x256xf32>
    %div3A_19 = arith.divf %sub3A_15, %div3A_18 : vector<10000x256xf32>
    %get3A_20 = arith.constant 0 : index
    %get3A_21 = arith.constant 0 : index
    %get3A_22 = vector.load %arg1[%get3A_20, %get3A_21] : memref<1x256xf32, #tpu.memory_space<vmem>>, vector<1x256xf32>
    %mul3A_23 = vector.broadcast %get3A_22 : vector<1x256xf32> to vector<10000x256xf32>
    %mul3A_24 = arith.mulf %div3A_19, %mul3A_23 : vector<10000x256xf32>
    %get3A_25 = arith.constant 0 : index
    %get3A_26 = arith.constant 0 : index
    %get3A_27 = vector.load %arg2[%get3A_25, %get3A_26] : memref<1x256xf32, #tpu.memory_space<vmem>>, vector<1x256xf32>
    %add3A_28 = vector.broadcast %get3A_27 : vector<1x256xf32> to vector<10000x256xf32>
    %add3A_29 = arith.addf %mul3A_24, %add3A_28 : vector<10000x256xf32>
    %max3A = arith.constant 0.000000e+00 : f32
    %max3A_30 = vector.broadcast %max3A : f32 to vector<10000x256xf32>
    %max3A_31 = arith.maximumf %add3A_29, %max3A_30 : vector<10000x256xf32>
    %get3A_32 = arith.constant 0 : index
    %get3A_33 = arith.constant 0 : index
    %get3A_34 = vector.load %arg3[%get3A_32, %get3A_33] : memref<256x128xf32, #tpu.memory_space<vmem>>, vector<256x128xf32>
    %dot_general3A = arith.constant dense<0.000000e+00> : vector<10000x128xf32>
    %dot_general3A_35 = tpu.matmul %max3A_31, %get3A_34, %dot_general3A {dimension_numbers = #tpu.dot_dimension_numbers<[1], [0], [0], [1], [0, 0, 1, 1], [], []>, transpose_lhs_hint = false} : vector<10000x256xf32>, vector<256x128xf32>, vector<10000x128xf32> -> vector<10000x128xf32>
    %get3A_36 = arith.constant 0 : index
    %get3A_37 = arith.constant 0 : index
    %get3A_38 = vector.load %arg4[%get3A_36, %get3A_37] : memref<1x128xf32, #tpu.memory_space<vmem>>, vector<1x128xf32>
    %add3A_39 = vector.broadcast %get3A_38 : vector<1x128xf32> to vector<10000x128xf32>
    %add3A_40 = arith.addf %dot_general3A_35, %add3A_39 : vector<10000x128xf32>
    %swap3A = arith.constant 0 : index
    %swap3A_41 = arith.constant 0 : index
    %swap3A_42 = vector.load %arg5[%swap3A, %swap3A_41] : memref<10000x128xf32, #tpu.memory_space<vmem>>, vector<10000x128xf32>
    tpu.vector_store %arg5[%swap3A, %swap3A_41], %add3A_40 {strides = array<i32>} : memref<10000x128xf32, #tpu.memory_space<vmem>>, vector<10000x128xf32>,
    return
  }
}

</mosaic_0001>

<sc_bundles>
// kernel: kernel.10.cloned.1.call-start
scs
__scs_entry_jumppad:
0x0: {  	(pc) =	sbr.rel $0x88, $3  }
0x1: {  	(tag) =	ssettag $0x0;
	lr =	simm.s32 $0x1  }
0x2: {  	[smem:$0x3F8D] =	sst lr;
	_ =	strace $0xD0000000  }
0x3: {  	_ = 	snop  }
0x4: {  	_ = 	snop  }
0x5: {  	_ = 	snop  }
0x6: {  	_ = 	snop  }
0x7: {  	_ = 	snop  }
__scs_overlays_trampoline_lowered:
0x8: {  	[smem:$0x3F9C] =	sst s0  }
0x9: {  	[smem:$0x3F9D] =	sst s1  }
0xa: {  	[smem:$0x3F9E] =	sst s2  }
0xb: {  	[smem:$0x3F9F] =	sst s3  }
0xc: {  	[smem:$0x3FA0] =	sst s4  }
0xd: {  	[smem:$0x3FA1] =	sst s5  }
0xe: {  	[smem:$0x3FA2] =	sst s6  }
0xf: {  	[smem:$0x3FA3] =	sst s7  }
0x10: {  	[smem:$0x3FA4] =	sst s8  }
0x11: {  	[smem:$0x3FA5] =	sst s9;
	s0 =	simm.s32 @!p0 $0x0  }
0x12: {  	s1 =	sld [smem:$0x3F8B];
	s0 =	simm.s32 @p0 $0x1  }
0x13: {  	[smem:$0x3FA6] =	sst s0;
	s0 =	simm.s32 @!p1 $0x0  }
0x14: {  	s2 =	sld [smem:$0x3F8A];
	s0 =	simm.s32 @p1 $0x1  }
0x15: {  	[smem:$0x3FA7] =	sst s0;
	s0 =	simm.s32 @!p2 $0x0  }
0x16: {  	s3 =	sld [smem:$0x3FDB];
	s0 =	simm.s32 @p2 $0x1  }
0x17: {  	s4 =	simm.s32 $0x1BF5;
	[smem:$0x3FA9] =	sst s0  }
0x18: {  	s0 =	sld [smem:$0x3F8C];
	_ =	swait.ge [sflag:s4], $0x0  }
0x19: {  	s7 =	sld [smem:$0x3F8D]  }
0x1a: {  	s8 =	sadd.s32 $0xFFFFE003, lr  }
0x1b: {  	s9 =	sadd.s32 $0xFFFFFEF7, lr;
	s5 =	simm.s32 $0xFFFFFFFF;
	p2 =	slt.u32 s8, $0xFFFFF086  }
0x1c: {  	p1 =	slt.u32 s9, $0xF7A;
	s5 =	simm.s32 @!p2 $0x0  }
0x1d: {  	s5 =	simm.s32 @p1 $0x1;
	p0 =	seq.s32 s7, s2  }
0x1e: {  	s7 =	smul.u32 @!p0 $0xF7A, s2;
	p2 =	seq.s32 @!p0 s5, $0x0  }
0x1f: {  	s9 =	smul.u32 $0xF7A, s1;
	s8 =	simm.s32 @!p0 $0x1BF5;
	p2 =	por !p2, p0  }
0x20: {  	[sflag:s8] =	ssyncset.s32 @!p0 $0xFFFFF086;
	s6 =	sadd.s32 @!p0 s3, s7;
	s7 =	simm.s32 @!p0 $0x108  }
0x21: {  	s3 =	sadd.s32 s3, s9;
	s6 =	sadd.s32 @!p0 $0x88, s6;
	s7 =	simm.s32 @p2 $0x1082  }
0x22: {  	[simem:s7], [sflag:s8] =	dma.local @!p0 [hbm:s6], $0xF7A  }
0x23: {  	s9 =	sor.u32 $0xD0000000, s2;
	s6 =	simm.s32 $0x108;
	_ =	swait.ge @!p0 [sflag:s8], $0x0  }
0x24: {  	s3 =	sadd.s32 $0x88, s3;
	s6 =	simm.s32 @!p1 $0x1082;
	[sflag:s4] =	ssyncset.s32 $0xFFFFF086  }
0x25: {  	[simem:s6], [sflag:s4] =	dma.local [hbm:s3], $0xF7A  }
0x26: {  	[smem:$0x3F8D] =	sst s1;
	(tag) =	ssettag s2;
	_ =	strace s9  }
0x27: {  	s1 =	sld [smem:$0x3F9D]  }
0x28: {  	s2 =	sld [smem:$0x3F9E]  }
0x29: {  	s4 =	sld [smem:$0x3FA0]  }
0x2a: {  	p0 =	seq.s32 s5, $0x0;
	s5 =	sld [smem:$0x3FA1]  }
0x2b: {  	s6 =	sld [smem:$0x3FA2]  }
0x2c: {  	s7 =	sld [smem:$0x3FA3]  }
0x2d: {  	s3 =	simm.s32 $0x108;
	s8 =	sld [smem:$0x3FA4]  }
0x2e: {  	s3 =	simm.s32 @!p0 $0x1082;
	s9 =	sld [smem:$0x3FA5]  }
0x2f: {  	lr =	sadd.s32 s0, s3;
	s0 =	sld [smem:$0x3F9C]  }
0x30: {  	s3 =	sld [smem:$0x3F9F]  }
0x31: {  	[smem:$0x3FA8] =	sst s10  }
0x32: {  	s10 =	sld [smem:$0x3FA6];
	_ =	sdelay $0x3  }
0x33: {  	p0 =	seq.s32 s10, $0x1;
	s10 =	sld [smem:$0x3FA8];
	_ =	sdelay $0x3  }
0x34: {  	[smem:$0x3FA8] =	sst s10  }
0x35: {  	s10 =	sld [smem:$0x3FA7];
	_ =	sdelay $0x3  }
0x36: {  	p1 =	seq.s32 s10, $0x1;
	s10 =	sld [smem:$0x3FA8];
	_ =	sdelay $0x3  }
0x37: {  	[smem:$0x3FA8] =	sst s10  }
0x38: {  	s10 =	sld [smem:$0x3FA9]  }
0x39: {  	_ = 	snop;
	(pc) =	sbr.ind lr, $3  }
0x3a: {  	_ = 	snop  }
0x3b: {  	_ = 	snop  }
0x3c: {  	p2 =	seq.s32 s10, $0x1;
	s10 =	sld [smem:$0x3FA8]  }
0x3d: {  	_ =	shalt  }
0x3e: {  	_ =	shalt  }
0x3f: {  	_ =	shalt  }
0x40: {  	_ =	shalt  }
0x41: {  	_ =	shalt  }
0x42: {  	_ =	shalt  }
0x43: {  	_ =	shalt  }
0x44: {  	_ =	shalt  }
0x45: {  	_ =	shalt  }
0x46: {  	_ =	shalt  }
0x47: {  	_ =	shalt  }
0x48: {  	_ =	shalt  }
0x49: {  	_ =	shalt  }
0x4a: {  	_ =	shalt  }
0x4b: {  	_ =	shalt  }
0x4c: {  	_ =	shalt  }
0x4d: {  	_ =	shalt  }
0x4e: {  	_ =	shalt  }
0x4f: {  	_ =	shalt  }
0x50: {  	_ =	shalt  }
0x51: {  	_ =	shalt  }
0x52: {  	_ =	shalt  }
0x53: {  	_ =	shalt  }
0x54: {  	_ =	shalt  }
0x55: {  	_ =	shalt  }
0x56: {  	_ =	shalt  }
0x57: {  	_ =	shalt  }
0x58: {  	_ =	shalt  }
0x59: {  	_ =	shalt  }
0x5a: {  	_ =	shalt  }
0x5b: {  	_ =	shalt  }
0x5c: {  	_ =	shalt  }
0x5d: {  	_ =	shalt  }
0x5e: {  	_ =	shalt  }
0x5f: {  	_ =	shalt  }
0x60: {  	_ =	shalt  }
0x61: {  	_ =	shalt  }
0x62: {  	_ =	shalt  }
0x63: {  	_ =	shalt  }
0x64: {  	_ =	shalt  }
0x65: {  	_ =	shalt  }
0x66: {  	_ =	shalt  }
0x67: {  	_ =	shalt  }
0x68: {  	_ =	shalt  }
0x69: {  	_ =	shalt  }
0x6a: {  	_ =	shalt  }
0x6b: {  	_ =	shalt  }
0x6c: {  	_ =	shalt  }
0x6d: {  	_ =	shalt  }
0x6e: {  	_ =	shalt  }
0x6f: {  	_ =	shalt  }
0x70: {  	_ =	shalt  }
0x71: {  	_ =	shalt  }
0x72: {  	_ =	shalt  }
0x73: {  	_ =	shalt  }
0x74: {  	_ =	shalt  }
0x75: {  	_ =	shalt  }
0x76: {  	_ =	shalt  }
0x77: {  	_ =	shalt  }
0x78: {  	_ =	shalt  }
0x79: {  	_ =	shalt  }
0x7a: {  	_ =	shalt  }
0x7b: {  	_ =	shalt  }
0x7c: {  	_ =	shalt  }
0x7d: {  	_ =	shalt  }
0x7e: {  	_ =	shalt  }
0x7f: {  	_ =	shalt  }
0x80: {  	_ =	shalt  }
0x81: {  	_ =	shalt  }
0x82: {  	_ =	shalt  }
0x83: {  	_ =	shalt  }
0x84: {  	_ =	shalt  }
0x85: {  	_ =	shalt  }
0x86: {  	_ =	shalt  }
0x87: {  	_ =	shalt  }
.Lfunc_end0:
.L_simem_size_0:
called_computation.1_lowered:
.L_overlay_start_0:
0x88: {  	s2 =	sld [smem:$0x3FD9]  }
0x89: {  	s3 =	sld [smem:$0x3FFE];
	_ =	sdelay $0x1  }
0x8a: {  	s1 =	srdreg.scid  }
0x8b: {  	s0 =	sand.u32 $0x1, s1  }
0x8c: {  	s17 =	sshll.u32 s0, $0xA;
	s2 =	sadd.s32 s3, s2  }
0x8d: {  	s2 =	sadd.s32 s2, s17  }
0x8e: {  	[smem:$0x3FB4] =	sst s2  }
0x8f: {  	_ = 	snop  }
0x90: {  	s2 =	sld [smem:$0x3FD0];
	(tm) =	ssettm $0x1  }
0x91: {  	s18 =	sld [smem:$0x3FFB];
	_ =	sdelay $0x3  }
0x92: {  	_ =	strace s18  }
0x93: {  	s3 =	sld [smem:$0x3FFC];
	_ =	sdelay $0x3  }
0x94: {  	_ =	strace s3  }
0x95: {  	s3 =	sld [smem:$0x3FFD];
	_ =	sdelay $0x3  }
0x96: {  	_ =	strace s3  }
0x97: {  	_ =	strace $0x8FFFFFFF  }
0x98: {  	s19 =	sld [smem:$0x3FDB];
	_ =	sdelay $0x1  }
0x99: {  	s4 =	simm.s32 $_scs_section_size  }
0x9a: {  	s5 =	simm.s32 $_size__tile_overlayer_lowered;
	s6 =	simm.s32 $_tile_overlayer_lowered  }
0x9b: {  	s22 =	simm.s32 $0x1BFF;
	s21 =	sshll.u32 s6, $0x1;
	s3 =	sadd.s32 s4, s19  }
0x9c: {  	s7 =	simm.s32 $0x0;
	s20 =	sshll.u32 s5, $0x1;
	s5 =	sadd.s32 s21, s3  }
0x9d: {  	[timem:s7], [sflag:s22] =	dma.local [hbm:s5], s20  }
0x9e: {  	_ =	swait.ge [sflag:s22], s20  }
0x9f: {  	s4 =	ssub.s32 $0x0, s20;
	[sflag:s22] =	ssyncset.done $0x0  }
0xa0: {  	[sflag:s22] =	ssyncadd.s32 s4;
	_ =	sdelay $0x1  }
0xa1: {  	s23 =	simm.s32 $0x1B8B  }
0xa2: {  	_ =	swait.ge [sflag:s23], $0x1  }
0xa3: {  	[sflag:s23] =	ssyncset.done $0x0  }
0xa4: {  	s25 =	simm.s32 $0x1B8E;
	s24 =	sld [smem:$0x3FFE];
	[sflag:s23] =	ssyncadd.s32 $0xFFFFFFFF  }
0xa5: {  	s26 =	simm.s32 $execute0_lowered;
	[smem:$0x3FD2] =	sst s25  }
0xa6: {  	s5 =	sshll.u32 s26, $0x1;
	_ =	strace $0x80000049;
	[dreg:$0x1] =	wrdreg $0xFFFFFFFF  }
0xa7: {  	s28 =	simm.s32 $_size_execute0_lowered;
	s3 =	sadd.s32 s3, s5;
	[dreg:$0x0] =	wrdreg $0x0  }
0xa8: {  	s5 =	sshll.u32 s28, $0x1;
	[dreg:$0x2] =	wrdreg s3  }
0xa9: {  	[dreg:$0x3] =	wrdreg s5  }
0xaa: {  	[dreg:$0x4] =	wrdreg $0xC0  }
0xab: {  	_ =	task [dreg:s7], $0x5FFFF  }
0xac: {  	[dreg:$0x1] =	wrdreg $0xFFFFFFFF  }
0xad: {  	[dreg:$0x0] =	wrdreg $0x60  }
0xae: {  	[dreg:$0x2] =	wrdreg s2  }
0xaf: {  	[dreg:$0x3] =	wrdreg s24  }
0xb0: {  	[dreg:$0x4] =	wrdreg $0x8F000  }
0xb1: {  	[dreg:$0x5] =	wrdreg $0x9  }
0xb2: {  	_ =	task.clear_ibuf [dreg:s7], $0x6FFFF;
	_ =	strace $0x90000049  }
0xb3: {  	s29 =	simm.s32 $0x9;
	_ =	strace $0x8000004B  }
0xb4: {  	_ =	swait.ge [sflag:s29], $0x1  }
0xb5: {  	[sflag:s29] =	ssyncadd.s32 $0xFFFFFFFF  }
0xb6: {  	_ =	strace $0x9000004B  }
0xb7: {  	_ =	sfence  }
0xb8: {  	s30 =	sld [smem:$0x0];
	_ =	sdelay $0x2  }
0xb9: {  	s31 =	sshll.u32 s1, $0xD;
	s1 =	sshrl.u32 s1, $0x2  }
0xba: {  	s3 =	sand.u32 $0x4000, s31;
	s1 =	sadd.s32 s1, s30  }
0xbb: {  	s0 =	sor.u32 s3, s0;
	s1 =	sshll.u32 s1, $0x11  }
0xbc: {  	s0 =	sor.u32 s1, s0  }
0xbd: {  	s0 =	sadd.s32 $0x8F2B, s0  }
0xbe: {  	[sflag:s0] =	ssyncadd.remote.s32 $0x1  }
0xbf: {  	_ =	sfence.sel $0xFFFF  }
0xc0: {  	[dreg:$0x0] =	wrdreg $0xFFFFFFFF;
	(pc) =	sbr.abs _section_cstart, $3  }
0xc1: {  	[dreg:$0x1] =	wrdreg $0xFFFFFFFF  }
0xc2: {  	_ =	task.clear_ibuf [dreg:s7], $0x2FFFF;
	_ =	strace $0x9FFFFFFF  }
0xc3: {  	(tm) =	ssettm $0x7FFFFFFF  }
tec
execute0_lowered:
.L_overlay_start_1:
0x0: {  	(tag) =	ssettag $0x1  }
0x1: {  	s1 =	rddreg [dreg:$0x0]  }
0x2: {  	s0 =	srdreg.scid;
	s6 =	rddreg [dreg:$0x1]  }
0x3: {  	s3 =	rddreg [dreg:$0x2];
	s4 =	simm.s32 $0x0;
	s14 =	simm.s32 $0x80  }
0x4: {  	s15 =	simm.s32 $0x4F00;
	s5 =	sand.u32 $0x1, s0;
	s0 =	stileid.u32  }
0x5: {  	s16 =	simm.s32 $0x1;
	s17 =	simm.s32 $0x0;
	s8 =	smul.u32 $0x13C00, s0  }
0x6: {  	[smem:$0x7FF] =	sst s4;
	s2 =	sshll.u32 s5, $0x4;
	s9 =	smul.u32 $0x13C000, s5  }
0x7: {  	s5 =	ssub.s32 $0x2, s5;
	s31 =	sshll.u32 s0, $0x6;
	s2 =	sor.u32 s0, s2  }
0x8: {  	s11 =	sshrl.u32 s5, $0x1;
	s7 =	smul.u32 $0x4F0, s2;
	s2 =	rddreg [dreg:$0x3]  }
0x9: {  	_ =	strace $0x8000004A;
	s29 =	sadd.s32 s8, s9;
	s30 =	sshrl.u32 s8, $0x3  }
0xa: {  	s11 =	ssub.s32 s5, s11;
	s13 =	sadd.s32 s8, s3;
	s9 =	sadd.s32 s30, s6  }
0xb: {  	s10 =	sadd.s32 s7, s6;
	s7 =	sshrl.u32 s29, $0x3;
	s5 =	sadd.s32 $0x1600, s9  }
0xc: {  	s12 =	sadd.s32 s7, s6;
	s6 =	sor.u32 $0x1C02, s31;
	s7 =	sadd.s32 $0xA4800, s10  }
0xd: {  	s8 =	sadd.s32 $0xAE600, s10;
	s10 =	smax.u32 s11, $0x1;
	s11 =	sshrl.u32 s13, $0x3  }
0xe: {  	s13 =	simm.s32 $0x2780;
	s9 =	sadd.s32 $0x28E00, s12;
	s12 =	simm.s32 $0x2  }
.LBB2_1:
0xf: {  	[spmem:s11], [sflag:s6] =	dma.local [hbm:s5], $0x2780  }
0x10: {  	_ =	swait.ge [sflag:s12], $0x2780  }
0x11: {  	[sflag:s12] =	ssyncset.done $0x0  }
0x12: {  	[sflag:s12] =	ssyncadd.s32 $0xFFFFD880  }
0x13: {  	[tilespmem:s4], [sflag:$0x2] =	stream.linear.gather [hbm4b:s7+s4], $0x2780, $0x38;
	[tilespmem:$0x1CB00] =	vst v63  }
0x14: {  	_ =	swait.ge [sflag:s12], $0x2780  }
0x15: {  	[sflag:s12] =	ssyncset.done $0x0  }
0x16: {  	[sflag:s12] =	ssyncadd.s32 $0xFFFFD880  }
0x17: {  	[tilespmem:s13], [sflag:$0x2] =	stream.linear.gather [hbm4b:s8+s4], $0x2780, $0x38;
	[tilespmem:$0x1CB00] =	vst v63  }
0x18: {  	_ =	swait.ge [sflag:s12], $0x2780  }
0x19: {  	[sflag:s12] =	ssyncset.done $0x0  }
0x1a: {  	[sflag:s12] =	ssyncadd.s32 $0xFFFFD880  }
0x1b: {  	s18 =	simm.s32 $0x0;
	[bflag:$0x0] =	sbarrier.arrive $0xFFFF  }
0x1c: {  	[tilespmem:s15], [sflag:$0x1] =	stream.indirect.gather [hbm4b:s1+s14], $0x80, s18, s14, $0xb8;
	[tilespmem:$0x1CB00] =	vst v63  }
0x1d: {  	_ =	swait.ge [sflag:s16], $0x4000  }
0x1e: {  	[sflag:s16] =	ssyncset.done $0x0  }
0x1f: {  	s31 =	simm.s32 $0x2780;
	[sflag:s16] =	ssyncadd.s32 $0xFFFFC000  }
0x20: {  	[spmem:s3] =	stream.indirect.scatter.add.f32 [tilespmem:s15], [sflag:$0x2], $0x80, s31, s14, $0xb8;
	[tilespmem:$0x1CB00] =	vst v63  }
0x21: {  	_ =	swait.ge [sflag:s12], $0x4000  }
0x22: {  	s19 =	simm.s32 $0x400;
	s18 =	simm.s32 $0x200;
	[sflag:s12] =	ssyncset.done $0x0  }
.LBB2_2:
0x23: {  	s20 =	sshra.s32 s18, $0x2  }
0x24: {  	[sflag:s12] =	ssyncadd.s32 $0xFFFFC000;
	s18 =	smov.u32 s19;
	s21 =	sadd.s32 $0x200, s19  }
0x25: {  	[tilespmem:s15], [sflag:$0x1] =	stream.indirect.gather [hbm4b:s1+s14], $0x80, s20, s14, $0xb8;
	[tilespmem:$0x1CB00] =	vst v63  }
0x26: {  	p0 =	sne.s32 s19, $0x9C00;
	_ =	swait.ge [sflag:s16], $0x4000  }
.Ltmp0:
0x27: {  	[sflag:s16] =	ssyncset.done $0x0;
	(pc) =	sbr.rel @p0 .LBB2_2-.Ltmp0, $4  }
0x28: {  	s19 =	sadd.s32 $0x2780, s20;
	[sflag:s16] =	ssyncadd.s32 $0xFFFFC000  }
0x29: {  	[spmem:s3] =	stream.indirect.scatter.add.f32 [tilespmem:s15], [sflag:$0x2], $0x80, s19, s14, $0xb8;
	[tilespmem:$0x1CB00] =	vst v63  }
0x2a: {  	_ =	swait.ge [sflag:s12], $0x4000  }
0x2b: {  	s19 =	smov.u32 s21;
	[sflag:s12] =	ssyncset.done $0x0  }
0x2c: {  	s18 =	sshra.s32 s18, $0x2;
	[sflag:s12] =	ssyncadd.s32 $0xFFFFC000  }
0x2d: {  	[tilespmem:s15], [sflag:$0x1] =	stream.indirect.gather [hbm4b:s1+s14], $0x80, s18, s14, $0xb8;
	[tilespmem:$0x1CB00] =	vst v63  }
0x2e: {  	_ =	swait.ge [sflag:s16], $0x4000  }
0x2f: {  	[sflag:s16] =	ssyncset.done $0x0  }
0x30: {  	s18 =	sadd.s32 $0x2780, s18;
	[sflag:s16] =	ssyncadd.s32 $0xFFFFC000  }
0x31: {  	[spmem:s3] =	stream.indirect.scatter.add.f32 [tilespmem:s15], [sflag:$0x2], $0x80, s18, s14, $0xb8;
	[tilespmem:$0x1CB00] =	vst v63  }
0x32: {  	_ =	swait.ge [sflag:s12], $0x4000  }
0x33: {  	s17 =	sadd.s32 $0x1, s17;
	[sflag:s12] =	ssyncset.done $0x0  }
0x34: {  	p0 =	sne.s32 s17, s10;
	[sflag:s12] =	ssyncadd.s32 $0xFFFFC000  }
.Ltmp1:
0x35: {  	[bflag:$0x0] =	sbarrier.arrive $0xFFFF;
	(pc) =	sbr.rel @p0 .LBB2_1-.Ltmp1, $4  }
0x36: {  	[hbm:s9], [sflag:s6] =	dma.local [spmem:s11], $0x2780  }
0x37: {  	_ =	swait.ge [sflag:s12], $0x2780  }
0x38: {  	[sflag:s12] =	ssyncset.done $0x0  }
0x39: {  	[sflag:s12] =	ssyncadd.s32 $0xFFFFD880  }
0x3a: {  	_ =	sfence.sel $0x180000  }
0x3b: {  	[bflag:$0x0] =	sbarrier.arrive $0xFFFF  }
0x3c: {  	p0 =	sne.s32 s0, $0x0;
	_ =	strace $0x9000004A  }
0x3d: {  	s0 =	sadd.s32 @!p0 $0x100000, s2;
	[bflag:$0x2] =	sbarrier.arrive $0xFFFF  }
0x3e: {  	[sflag:s0] =	ssyncadd.tile.s32 @!p0 $0x1;
	_ =	shalt  }
.Lfunc_end2:
_tile_overlayer_lowered:
.L_overlay_start_2:
0x3f: {  	(tag) =	ssettag $0x2  }
0x40: {  	s0 =	rddreg [dreg:$0x0];
	s2 =	stileid.u32  }
0x41: {  	s1 =	rddreg [dreg:$0x1];
	p0 =	sne.s32 s2, $0x0  }
0x42: {  	s3 =	rddreg [dreg:$0x2];
	[bflag:$0x3] =	sbarrier.arrive $0xFFFF;
	s2 =	simm.s32 @!p0 $0x1C02  }
0x43: {  	[timem:s3], [sflag:s2] =	dma.local @!p0 [hbm:s0], s1  }
0x44: {  	s0 =	simm.s32 @!p0 $0x2  }
0x45: {  	_ =	swait.ge @!p0 [sflag:s0], s1  }
0x46: {  	s1 =	ssub.s32 @!p0 $0x0, s1;
	[sflag:s0] =	ssyncset.done @!p0 $0x0  }
0x47: {  	[sflag:s0] =	ssyncadd.s32 @!p0 s1  }
0x48: {  	[bflag:$0x3] =	sbarrier.arrive $0xFFFF  }
0x49: {  	_ =	shalt  }

// kernel: kernel.7.cloned.1.call-start
scs
__scs_entry_jumppad:
0x0: {  	(pc) =	sbr.rel $0x88, $3  }
0x1: {  	(tag) =	ssettag $0x0;
	lr =	simm.s32 $0x1  }
0x2: {  	[smem:$0x3F8D] =	sst lr;
	_ =	strace $0xD0000000  }
0x3: {  	_ = 	snop  }
0x4: {  	_ = 	snop  }
0x5: {  	_ = 	snop  }
0x6: {  	_ = 	snop  }
0x7: {  	_ = 	snop  }
__scs_overlays_trampoline_lowered:
0x8: {  	[smem:$0x3F9C] =	sst s0  }
0x9: {  	[smem:$0x3F9D] =	sst s1  }
0xa: {  	[smem:$0x3F9E] =	sst s2  }
0xb: {  	[smem:$0x3F9F] =	sst s3  }
0xc: {  	[smem:$0x3FA0] =	sst s4  }
0xd: {  	[smem:$0x3FA1] =	sst s5  }
0xe: {  	[smem:$0x3FA2] =	sst s6  }
0xf: {  	[smem:$0x3FA3] =	sst s7  }
0x10: {  	[smem:$0x3FA4] =	sst s8  }
0x11: {  	[smem:$0x3FA5] =	sst s9;
	s0 =	simm.s32 @!p0 $0x0  }
0x12: {  	s1 =	sld [smem:$0x3F8B];
	s0 =	simm.s32 @p0 $0x1  }
0x13: {  	[smem:$0x3FA6] =	sst s0;
	s0 =	simm.s32 @!p1 $0x0  }
0x14: {  	s2 =	sld [smem:$0x3F8A];
	s0 =	simm.s32 @p1 $0x1  }
0x15: {  	[smem:$0x3FA7] =	sst s0;
	s0 =	simm.s32 @!p2 $0x0  }
0x16: {  	s3 =	sld [smem:$0x3FDB];
	s0 =	simm.s32 @p2 $0x1  }
0x17: {  	s4 =	simm.s32 $0x1BF5;
	[smem:$0x3FA9] =	sst s0  }
0x18: {  	s0 =	sld [smem:$0x3F8C];
	_ =	swait.ge [sflag:s4], $0x0  }
0x19: {  	s7 =	sld [smem:$0x3F8D]  }
0x1a: {  	s8 =	sadd.s32 $0xFFFFE003, lr  }
0x1b: {  	s9 =	sadd.s32 $0xFFFFFEF7, lr;
	s5 =	simm.s32 $0xFFFFFFFF;
	p2 =	slt.u32 s8, $0xFFFFF086  }
0x1c: {  	p1 =	slt.u32 s9, $0xF7A;
	s5 =	simm.s32 @!p2 $0x0  }
0x1d: {  	s5 =	simm.s32 @p1 $0x1;
	p0 =	seq.s32 s7, s2  }
0x1e: {  	s7 =	smul.u32 @!p0 $0xF7A, s2;
	p2 =	seq.s32 @!p0 s5, $0x0  }
0x1f: {  	s9 =	smul.u32 $0xF7A, s1;
	s8 =	simm.s32 @!p0 $0x1BF5;
	p2 =	por !p2, p0  }
0x20: {  	[sflag:s8] =	ssyncset.s32 @!p0 $0xFFFFF086;
	s6 =	sadd.s32 @!p0 s3, s7;
	s7 =	simm.s32 @!p0 $0x108  }
0x21: {  	s3 =	sadd.s32 s3, s9;
	s6 =	sadd.s32 @!p0 $0x88, s6;
	s7 =	simm.s32 @p2 $0x1082  }
0x22: {  	[simem:s7], [sflag:s8] =	dma.local @!p0 [hbm:s6], $0xF7A  }
0x23: {  	s9 =	sor.u32 $0xD0000000, s2;
	s6 =	simm.s32 $0x108;
	_ =	swait.ge @!p0 [sflag:s8], $0x0  }
0x24: {  	s3 =	sadd.s32 $0x88, s3;
	s6 =	simm.s32 @!p1 $0x1082;
	[sflag:s4] =	ssyncset.s32 $0xFFFFF086  }
0x25: {  	[simem:s6], [sflag:s4] =	dma.local [hbm:s3], $0xF7A  }
0x26: {  	[smem:$0x3F8D] =	sst s1;
	(tag) =	ssettag s2;
	_ =	strace s9  }
0x27: {  	s1 =	sld [smem:$0x3F9D]  }
0x28: {  	s2 =	sld [smem:$0x3F9E]  }
0x29: {  	s4 =	sld [smem:$0x3FA0]  }
0x2a: {  	p0 =	seq.s32 s5, $0x0;
	s5 =	sld [smem:$0x3FA1]  }
0x2b: {  	s6 =	sld [smem:$0x3FA2]  }
0x2c: {  	s7 =	sld [smem:$0x3FA3]  }
0x2d: {  	s3 =	simm.s32 $0x108;
	s8 =	sld [smem:$0x3FA4]  }
0x2e: {  	s3 =	simm.s32 @!p0 $0x1082;
	s9 =	sld [smem:$0x3FA5]  }
0x2f: {  	lr =	sadd.s32 s0, s3;
	s0 =	sld [smem:$0x3F9C]  }
0x30: {  	s3 =	sld [smem:$0x3F9F]  }
0x31: {  	[smem:$0x3FA8] =	sst s10  }
0x32: {  	s10 =	sld [smem:$0x3FA6];
	_ =	sdelay $0x3  }
0x33: {  	p0 =	seq.s32 s10, $0x1;
	s10 =	sld [smem:$0x3FA8];
	_ =	sdelay $0x3  }
0x34: {  	[smem:$0x3FA8] =	sst s10  }
0x35: {  	s10 =	sld [smem:$0x3FA7];
	_ =	sdelay $0x3  }
0x36: {  	p1 =	seq.s32 s10, $0x1;
	s10 =	sld [smem:$0x3FA8];
	_ =	sdelay $0x3  }
0x37: {  	[smem:$0x3FA8] =	sst s10  }
0x38: {  	s10 =	sld [smem:$0x3FA9]  }
0x39: {  	_ = 	snop;
	(pc) =	sbr.ind lr, $3  }
0x3a: {  	_ = 	snop  }
0x3b: {  	_ = 	snop  }
0x3c: {  	p2 =	seq.s32 s10, $0x1;
	s10 =	sld [smem:$0x3FA8]  }
0x3d: {  	_ =	shalt  }
0x3e: {  	_ =	shalt  }
0x3f: {  	_ =	shalt  }
0x40: {  	_ =	shalt  }
0x41: {  	_ =	shalt  }
0x42: {  	_ =	shalt  }
0x43: {  	_ =	shalt  }
0x44: {  	_ =	shalt  }
0x45: {  	_ =	shalt  }
0x46: {  	_ =	shalt  }
0x47: {  	_ =	shalt  }
0x48: {  	_ =	shalt  }
0x49: {  	_ =	shalt  }
0x4a: {  	_ =	shalt  }
0x4b: {  	_ =	shalt  }
0x4c: {  	_ =	shalt  }
0x4d: {  	_ =	shalt  }
0x4e: {  	_ =	shalt  }
0x4f: {  	_ =	shalt  }
0x50: {  	_ =	shalt  }
0x51: {  	_ =	shalt  }
0x52: {  	_ =	shalt  }
0x53: {  	_ =	shalt  }
0x54: {  	_ =	shalt  }
0x55: {  	_ =	shalt  }
0x56: {  	_ =	shalt  }
0x57: {  	_ =	shalt  }
0x58: {  	_ =	shalt  }
0x59: {  	_ =	shalt  }
0x5a: {  	_ =	shalt  }
0x5b: {  	_ =	shalt  }
0x5c: {  	_ =	shalt  }
0x5d: {  	_ =	shalt  }
0x5e: {  	_ =	shalt  }
0x5f: {  	_ =	shalt  }
0x60: {  	_ =	shalt  }
0x61: {  	_ =	shalt  }
0x62: {  	_ =	shalt  }
0x63: {  	_ =	shalt  }
0x64: {  	_ =	shalt  }
0x65: {  	_ =	shalt  }
0x66: {  	_ =	shalt  }
0x67: {  	_ =	shalt  }
0x68: {  	_ =	shalt  }
0x69: {  	_ =	shalt  }
0x6a: {  	_ =	shalt  }
0x6b: {  	_ =	shalt  }
0x6c: {  	_ =	shalt  }
0x6d: {  	_ =	shalt  }
0x6e: {  	_ =	shalt  }
0x6f: {  	_ =	shalt  }
0x70: {  	_ =	shalt  }
0x71: {  	_ =	shalt  }
0x72: {  	_ =	shalt  }
0x73: {  	_ =	shalt  }
0x74: {  	_ =	shalt  }
0x75: {  	_ =	shalt  }
0x76: {  	_ =	shalt  }
0x77: {  	_ =	shalt  }
0x78: {  	_ =	shalt  }
0x79: {  	_ =	shalt  }
0x7a: {  	_ =	shalt  }
0x7b: {  	_ =	shalt  }
0x7c: {  	_ =	shalt  }
0x7d: {  	_ =	shalt  }
0x7e: {  	_ =	shalt  }
0x7f: {  	_ =	shalt  }
0x80: {  	_ =	shalt  }
0x81: {  	_ =	shalt  }
0x82: {  	_ =	shalt  }
0x83: {  	_ =	shalt  }
0x84: {  	_ =	shalt  }
0x85: {  	_ =	shalt  }
0x86: {  	_ =	shalt  }
0x87: {  	_ =	shalt  }
.Lfunc_end0:
.L_simem_size_0:
called_computation_lowered:
.L_overlay_start_0:
0x88: {  	s2 =	sld [smem:$0x3FD9]  }
0x89: {  	s3 =	sld [smem:$0x3FFE];
	_ =	sdelay $0x1  }
0x8a: {  	s1 =	srdreg.scid  }
0x8b: {  	s0 =	sand.u32 $0x1, s1  }
0x8c: {  	s17 =	sshll.u32 s0, $0xA;
	s2 =	sadd.s32 s3, s2  }
0x8d: {  	s2 =	sadd.s32 s2, s17  }
0x8e: {  	[smem:$0x3FB4] =	sst s2  }
0x8f: {  	_ = 	snop  }
0x90: {  	s2 =	sld [smem:$0x3FD0];
	(tm) =	ssettm $0x1  }
0x91: {  	s18 =	sld [smem:$0x3FFB];
	_ =	sdelay $0x3  }
0x92: {  	_ =	strace s18  }
0x93: {  	s3 =	sld [smem:$0x3FFC];
	_ =	sdelay $0x3  }
0x94: {  	_ =	strace s3  }
0x95: {  	s3 =	sld [smem:$0x3FFD];
	_ =	sdelay $0x3  }
0x96: {  	_ =	strace s3  }
0x97: {  	_ =	strace $0x8FFFFFFF  }
0x98: {  	s19 =	sld [smem:$0x3FDB];
	_ =	sdelay $0x1  }
0x99: {  	s4 =	simm.s32 $_scs_section_size  }
0x9a: {  	s5 =	simm.s32 $_size__tile_overlayer_lowered;
	s6 =	simm.s32 $_tile_overlayer_lowered  }
0x9b: {  	s22 =	simm.s32 $0x1BFF;
	s21 =	sshll.u32 s6, $0x1;
	s3 =	sadd.s32 s4, s19  }
0x9c: {  	s7 =	simm.s32 $0x0;
	s20 =	sshll.u32 s5, $0x1;
	s5 =	sadd.s32 s21, s3  }
0x9d: {  	[timem:s7], [sflag:s22] =	dma.local [hbm:s5], s20  }
0x9e: {  	_ =	swait.ge [sflag:s22], s20  }
0x9f: {  	s4 =	ssub.s32 $0x0, s20;
	[sflag:s22] =	ssyncset.done $0x0  }
0xa0: {  	[sflag:s22] =	ssyncadd.s32 s4;
	_ =	sdelay $0x1  }
0xa1: {  	s23 =	simm.s32 $0x1B8B  }
0xa2: {  	_ =	swait.ge [sflag:s23], $0x1  }
0xa3: {  	[sflag:s23] =	ssyncset.done $0x0  }
0xa4: {  	s25 =	simm.s32 $0x1B8E;
	s24 =	sld [smem:$0x3FFE];
	[sflag:s23] =	ssyncadd.s32 $0xFFFFFFFF  }
0xa5: {  	s26 =	simm.s32 $execute0_lowered;
	[smem:$0x3FD2] =	sst s25  }
0xa6: {  	s5 =	sshll.u32 s26, $0x1;
	_ =	strace $0x80000046;
	[dreg:$0x1] =	wrdreg $0xFFFFFFFF  }
0xa7: {  	s28 =	simm.s32 $_size_execute0_lowered;
	s3 =	sadd.s32 s3, s5;
	[dreg:$0x0] =	wrdreg $0x0  }
0xa8: {  	s5 =	sshll.u32 s28, $0x1;
	[dreg:$0x2] =	wrdreg s3  }
0xa9: {  	[dreg:$0x3] =	wrdreg s5  }
0xaa: {  	[dreg:$0x4] =	wrdreg $0xC0  }
0xab: {  	_ =	task [dreg:s7], $0x5FFFF  }
0xac: {  	[dreg:$0x1] =	wrdreg $0xFFFFFFFF  }
0xad: {  	[dreg:$0x0] =	wrdreg $0x60  }
0xae: {  	[dreg:$0x2] =	wrdreg s24  }
0xaf: {  	[dreg:$0x3] =	wrdreg s2  }
0xb0: {  	[dreg:$0x4] =	wrdreg $0x5F000  }
0xb1: {  	[dreg:$0x5] =	wrdreg $0x9  }
0xb2: {  	_ =	task.clear_ibuf [dreg:s7], $0x6FFFF;
	_ =	strace $0x90000046  }
0xb3: {  	s29 =	simm.s32 $0x9;
	_ =	strace $0x80000048  }
0xb4: {  	_ =	swait.ge [sflag:s29], $0x1  }
0xb5: {  	[sflag:s29] =	ssyncadd.s32 $0xFFFFFFFF  }
0xb6: {  	_ =	strace $0x90000048  }
0xb7: {  	_ =	sfence  }
0xb8: {  	s30 =	sld [smem:$0x0];
	_ =	sdelay $0x2  }
0xb9: {  	s31 =	sshll.u32 s1, $0xD;
	s1 =	sshrl.u32 s1, $0x2  }
0xba: {  	s3 =	sand.u32 $0x4000, s31;
	s1 =	sadd.s32 s1, s30  }
0xbb: {  	s0 =	sor.u32 s3, s0;
	s1 =	sshll.u32 s1, $0x11  }
0xbc: {  	s0 =	sor.u32 s1, s0  }
0xbd: {  	s0 =	sadd.s32 $0x8F2B, s0  }
0xbe: {  	[sflag:s0] =	ssyncadd.remote.s32 $0x1  }
0xbf: {  	_ =	sfence.sel $0xFFFF  }
0xc0: {  	[dreg:$0x0] =	wrdreg $0xFFFFFFFF;
	(pc) =	sbr.abs _section_cstart, $3  }
0xc1: {  	[dreg:$0x1] =	wrdreg $0xFFFFFFFF  }
0xc2: {  	_ =	task.clear_ibuf [dreg:s7], $0x2FFFF;
	_ =	strace $0x9FFFFFFF  }
0xc3: {  	(tm) =	ssettm $0x7FFFFFFF  }
tec
execute0_lowered:
.L_overlay_start_1:
0x0: {  	(tag) =	ssettag $0x1  }
0x1: {  	s5 =	rddreg [dreg:$0x0]  }
0x2: {  	s9 =	rddreg [dreg:$0x1]  }
0x3: {  	s2 =	rddreg [dreg:$0x2];
	s1 =	srdreg.scid  }
0x4: {  	s0 =	rddreg [dreg:$0x3];
	s3 =	simm.s32 $0x0;
	s15 =	simm.s32 $0x80  }
0x5: {  	s16 =	simm.s32 $0x4F00;
	s17 =	simm.s32 $0x1;
	s6 =	sand.u32 $0x1, s1  }
0x6: {  	s18 =	simm.s32 $0x5700;
	s1 =	stileid.u32;
	s4 =	smul.u32 $0x278000, s6  }
0x7: {  	s19 =	simm.s32 $0x0;
	[smem:$0x7FF] =	sst s3;
	s8 =	smul.u32 $0x27800, s1  }
0x8: {  	s7 =	sshll.u32 s6, $0x4;
	_ =	strace $0x80000047;
	s10 =	smul.u32 $0x2780, s1  }
0x9: {  	s28 =	ssub.s32 $0x2, s6;
	s6 =	smul.u32 $0x27800, s6;
	s7 =	sor.u32 s1, s7  }
0xa: {  	s30 =	sshll.u32 s1, $0x6;
	s13 =	sshrl.u32 s28, $0x1;
	s7 =	smul.u32 $0x4F0, s7  }
0xb: {  	s8 =	sadd.s32 s8, s4;
	s4 =	sadd.s32 $0x9F800, s5;
	s29 =	sshrl.u32 s10, $0x3  }
0xc: {  	s13 =	ssub.s32 s28, s13;
	s14 =	sadd.s32 s10, s2;
	s31 =	sadd.s32 s10, s6  }
0xd: {  	s6 =	sor.u32 $0x1C02, s30;
	s8 =	sshrl.u32 s8, $0x3;
	s10 =	sshrl.u32 s31, $0x3  }
0xe: {  	s11 =	sadd.s32 s7, s5;
	s12 =	sadd.s32 s8, s5;
	s5 =	sadd.s32 s29, s5  }
0xf: {  	s9 =	sadd.s32 s9, s10;
	s10 =	smax.u32 s13, $0x1;
	s13 =	simm.s32 $0x2  }
0x10: {  	s5 =	sadd.s32 $0xB8400, s5;
	s7 =	sadd.s32 $0xA4800, s11;
	s8 =	sadd.s32 $0xAE600, s11  }
0x11: {  	s11 =	sadd.s32 $0x1800, s12;
	s12 =	sshrl.u32 s14, $0x3;
	s14 =	simm.s32 $0x2780  }
.LBB2_1:
0x12: {  	[spmem:s12], [sflag:s6] =	dma.local [hbm:s5], $0x4F0  }
0x13: {  	_ =	swait.ge [sflag:s13], $0x4F0  }
0x14: {  	[sflag:s13] =	ssyncset.done $0x0  }
0x15: {  	[sflag:s13] =	ssyncadd.s32 $0xFFFFFB10  }
0x16: {  	[tilespmem:s3], [sflag:$0x2] =	stream.linear.gather [hbm4b:s7+s3], $0x2780, $0x38;
	[tilespmem:$0x8680] =	vst v63  }
0x17: {  	_ =	swait.ge [sflag:s13], $0x2780  }
0x18: {  	[sflag:s13] =	ssyncset.done $0x0  }
0x19: {  	[sflag:s13] =	ssyncadd.s32 $0xFFFFD880  }
0x1a: {  	[tilespmem:s14], [sflag:$0x2] =	stream.linear.gather [hbm4b:s8+s3], $0x2780, $0x38;
	[tilespmem:$0x8680] =	vst v63  }
0x1b: {  	_ =	swait.ge [sflag:s13], $0x2780  }
0x1c: {  	[sflag:s13] =	ssyncset.done $0x0  }
0x1d: {  	[sflag:s13] =	ssyncadd.s32 $0xFFFFD880  }
0x1e: {  	s20 =	simm.s32 $0x0;
	[bflag:$0x0] =	sbarrier.arrive $0xFFFF  }
0x1f: {  	[tilespmem:s16], [sflag:$0x1] =	stream.indirect.gather [hbm4b:s4+s15], $0x10, s20, s15, $0xb8;
	[tilespmem:$0x8680] =	vst v63  }
0x20: {  	_ =	swait.ge [sflag:s17], $0x800  }
0x21: {  	[sflag:s17] =	ssyncset.done $0x0  }
0x22: {  	s31 =	simm.s32 $0x2780;
	[sflag:s17] =	ssyncadd.s32 $0xFFFFF800  }
0x23: {  	[spmem:s2] =	stream.indirect.scatter.add.f32 [tilespmem:s16], [sflag:$0x2], $0x10, s31, s15, $0xb8;
	[tilespmem:$0x8680] =	vst v63  }
0x24: {  	_ =	swait.ge [sflag:s13], $0x800  }
0x25: {  	[sflag:s13] =	ssyncset.done $0x0  }
0x26: {  	[sflag:s13] =	ssyncadd.s32 $0xFFFFF800  }
0x27: {  	[tilespmem:s18], [sflag:$0x2] =	stream.linear.gather [hbm4b:s11+s3], $0x800, $0x38;
	[tilespmem:$0x8680] =	vst v63  }
0x28: {  	_ =	swait.ge [sflag:s13], $0x800  }
0x29: {  	[sflag:s13] =	ssyncset.done $0x0  }
0x2a: {  	[sflag:s13] =	ssyncadd.s32 $0xFFFFF800  }
0x2b: {  	[spmem:s2] =	stream.indirect.scatter.add.f32 [tilespmem:s18], [sflag:$0x2], $0x10, s31, s15, $0xb8;
	[tilespmem:$0x8680] =	vst v63  }
0x2c: {  	s21 =	simm.s32 $0x200;
	_ =	swait.ge [sflag:s13], $0x800  }
0x2d: {  	s22 =	simm.s32 $0x400;
	s20 =	sadd.s32 $0x100, s11;
	[sflag:s13] =	ssyncset.done $0x0  }
.LBB2_2:
0x2e: {  	s23 =	sshra.s32 s21, $0x2  }
0x2f: {  	[sflag:s13] =	ssyncadd.s32 $0xFFFFF800;
	s21 =	smov.u32 s22;
	s24 =	sadd.s32 $0x200, s22  }
0x30: {  	[tilespmem:s16], [sflag:$0x1] =	stream.indirect.gather [hbm4b:s4+s15], $0x10, s23, s15, $0xb8;
	[tilespmem:$0x8680] =	vst v63  }
0x31: {  	p0 =	sne.s32 s22, $0x9C00;
	_ =	swait.ge [sflag:s17], $0x800  }
0x32: {  	[sflag:s17] =	ssyncset.done $0x0  }
0x33: {  	s22 =	sadd.s32 $0x2780, s23;
	[sflag:s17] =	ssyncadd.s32 $0xFFFFF800  }
0x34: {  	[spmem:s2] =	stream.indirect.scatter.add.f32 [tilespmem:s16], [sflag:$0x2], $0x10, s22, s15, $0xb8;
	[tilespmem:$0x8680] =	vst v63  }
0x35: {  	_ =	swait.ge [sflag:s13], $0x800  }
0x36: {  	[sflag:s13] =	ssyncset.done $0x0  }
0x37: {  	[sflag:s13] =	ssyncadd.s32 $0xFFFFF800  }
0x38: {  	[tilespmem:s18], [sflag:$0x2] =	stream.linear.gather [hbm4b:s20+s3], $0x800, $0x38;
	[tilespmem:$0x8680] =	vst v63  }
0x39: {  	_ =	swait.ge [sflag:s13], $0x800  }
.Ltmp0:
0x3a: {  	[sflag:s13] =	ssyncset.done $0x0;
	(pc) =	sbr.rel @p0 .LBB2_2-.Ltmp0, $4  }
0x3b: {  	[sflag:s13] =	ssyncadd.s32 $0xFFFFF800  }
0x3c: {  	[spmem:s2] =	stream.indirect.scatter.add.f32 [tilespmem:s18], [sflag:$0x2], $0x10, s22, s15, $0xb8;
	[tilespmem:$0x8680] =	vst v63  }
0x3d: {  	_ =	swait.ge [sflag:s13], $0x800  }
0x3e: {  	s20 =	sadd.s32 $0x100, s20;
	s22 =	smov.u32 s24;
	[sflag:s13] =	ssyncset.done $0x0  }
0x3f: {  	s21 =	sshra.s32 s21, $0x2;
	[sflag:s13] =	ssyncadd.s32 $0xFFFFF800  }
0x40: {  	[tilespmem:s16], [sflag:$0x1] =	stream.indirect.gather [hbm4b:s4+s15], $0x10, s21, s15, $0xb8;
	[tilespmem:$0x8680] =	vst v63  }
0x41: {  	_ =	swait.ge [sflag:s17], $0x800  }
0x42: {  	[sflag:s17] =	ssyncset.done $0x0  }
0x43: {  	s21 =	sadd.s32 $0x2780, s21;
	[sflag:s17] =	ssyncadd.s32 $0xFFFFF800  }
0x44: {  	[spmem:s2] =	stream.indirect.scatter.add.f32 [tilespmem:s16], [sflag:$0x2], $0x10, s21, s15, $0xb8;
	[tilespmem:$0x8680] =	vst v63  }
0x45: {  	_ =	swait.ge [sflag:s13], $0x800  }
0x46: {  	[sflag:s13] =	ssyncset.done $0x0  }
0x47: {  	[sflag:s13] =	ssyncadd.s32 $0xFFFFF800  }
0x48: {  	[tilespmem:s18], [sflag:$0x2] =	stream.linear.gather [hbm4b:s20+s3], $0x800, $0x38;
	[tilespmem:$0x8680] =	vst v63  }
0x49: {  	_ =	swait.ge [sflag:s13], $0x800  }
0x4a: {  	[sflag:s13] =	ssyncset.done $0x0  }
0x4b: {  	[sflag:s13] =	ssyncadd.s32 $0xFFFFF800  }
0x4c: {  	[spmem:s2] =	stream.indirect.scatter.add.f32 [tilespmem:s18], [sflag:$0x2], $0x10, s21, s15, $0xb8;
	[tilespmem:$0x8680] =	vst v63  }
0x4d: {  	_ =	swait.ge [sflag:s13], $0x800  }
0x4e: {  	s19 =	sadd.s32 $0x1, s19;
	[sflag:s13] =	ssyncset.done $0x0  }
0x4f: {  	p0 =	sne.s32 s19, s10;
	[sflag:s13] =	ssyncadd.s32 $0xFFFFF800  }
.Ltmp1:
0x50: {  	[bflag:$0x0] =	sbarrier.arrive $0xFFFF;
	(pc) =	sbr.rel @p0 .LBB2_1-.Ltmp1, $4  }
0x51: {  	[hbm:s9], [sflag:s6] =	dma.local [spmem:s12], $0x4F0  }
0x52: {  	_ =	swait.ge [sflag:s13], $0x4F0  }
0x53: {  	[sflag:s13] =	ssyncset.done $0x0  }
0x54: {  	[sflag:s13] =	ssyncadd.s32 $0xFFFFFB10  }
0x55: {  	_ =	sfence.sel $0x180000  }
0x56: {  	[bflag:$0x0] =	sbarrier.arrive $0xFFFF  }
0x57: {  	p0 =	sne.s32 s1, $0x0;
	_ =	strace $0x90000047  }
0x58: {  	s0 =	sadd.s32 @!p0 $0x100000, s0;
	[bflag:$0x2] =	sbarrier.arrive $0xFFFF  }
0x59: {  	[sflag:s0] =	ssyncadd.tile.s32 @!p0 $0x1;
	_ =	shalt  }
.Lfunc_end2:
_tile_overlayer_lowered:
.L_overlay_start_2:
0x5a: {  	(tag) =	ssettag $0x2  }
0x5b: {  	s0 =	rddreg [dreg:$0x0];
	s2 =	stileid.u32  }
0x5c: {  	s1 =	rddreg [dreg:$0x1];
	p0 =	sne.s32 s2, $0x0  }
0x5d: {  	s3 =	rddreg [dreg:$0x2];
	[bflag:$0x3] =	sbarrier.arrive $0xFFFF;
	s2 =	simm.s32 @!p0 $0x1C02  }
0x5e: {  	[timem:s3], [sflag:s2] =	dma.local @!p0 [hbm:s0], s1  }
0x5f: {  	s0 =	simm.s32 @!p0 $0x2  }
0x60: {  	_ =	swait.ge @!p0 [sflag:s0], s1  }
0x61: {  	s1 =	ssub.s32 @!p0 $0x0, s1;
	[sflag:s0] =	ssyncset.done @!p0 $0x0  }
0x62: {  	[sflag:s0] =	ssyncadd.s32 @!p0 s1  }
0x63: {  	[bflag:$0x3] =	sbarrier.arrive $0xFFFF  }
0x64: {  	_ =	shalt  }

</sc_bundles>
